<compile_context>
chip_gen: v7x
topology: tpu7x:2x2x1
jax: 0.10.2.dev20260603
libtpu: 0.0.44.dev20260713+nightly
codegen_flags: <defaults>
</compile_context>

<pallas_src>
import functools

import jax
import jax.numpy as jnp
from jax import lax
from jax.experimental import pallas as pl
from jax.experimental.pallas import tpu as pltpu
from jax.experimental.pallas import tpu_sc as plsc

NCORES = 2
NSUB = 16
LANES = 16


def _proj_nodes_kernel(nodes_ref, w1_ref, w2_ref, pn_ref, pd_ref):
    nb = nodes_ref[...]
    pn_ref[...] = jnp.dot(nb, w1_ref[...], preferred_element_type=jnp.float32)
    pd_ref[...] = jnp.dot(nb, w2_ref[...], preferred_element_type=jnp.float32)


def _proj_edges_kernel(edges_ref, w3_ref, be_ref, epj_ref):
    epj_ref[...] = (
        jnp.dot(edges_ref[...], w3_ref[...], preferred_element_type=jnp.float32)
        + be_ref[...][None, :]
    )


def _node_update_kernel(nodes_ref, a0_ref, a1_ref, wn_ref, bn_ref, out_ref):
    nb = nodes_ref[...]
    wn = wn_ref[...]
    d = nb.shape[1]
    h = a0_ref.shape[1]
    acc = jnp.dot(nb, wn[:d], preferred_element_type=jnp.float32)
    acc = acc + jnp.dot(a0_ref[...], wn[d:d + h], preferred_element_type=jnp.float32)
    acc = acc + jnp.dot(a1_ref[...], wn[d + h:], preferred_element_type=jnp.float32)
    out_ref[...] = jnp.maximum(acc + bn_ref[...][None, :], 0.0)


def _make_sc_edge_kernel(n_nodes, n_edges, feat_half, chunk):
    N, E, H, CH = n_nodes, n_edges, feat_half, chunk
    ept = E // NSUB
    nch = ept // CH
    rpt = 1000
    ntl = N // rpt

    mesh = plsc.VectorSubcoreMesh(
        core_axis_name="c", subcore_axis_name="s",
        num_cores=NCORES, num_subcores=NSUB)

    @functools.partial(
        pl.kernel,
        out_type=[
            jax.ShapeDtypeStruct((E, 2 * H), jnp.float32),
            jax.ShapeDtypeStruct((NCORES * N, H), jnp.float32),
        ],
        mesh=mesh,
        scratch_types=[
            pltpu.VMEM((CH,), jnp.int32),
            pltpu.VMEM((CH,), jnp.int32),
            pltpu.VMEM((CH,), jnp.int32),
            pltpu.VMEM((CH,), jnp.int32),
            pltpu.VMEM((CH, H), jnp.float32),
            pltpu.VMEM((CH, H), jnp.float32),
            pltpu.VMEM((CH, H), jnp.float32),
            pltpu.VMEM_SHARED((N, H), jnp.float32),
            pltpu.SemaphoreType.DMA,
        ],
    )
    def sc_edge(pn_hbm, pd_hbm, epj_hbm, src_hbm, dst_hbm, zero_hbm,
                enew_hbm, agg_hbm,
                idx_s, idx_d, idx_gs, idx_gd, buf_a, buf_b, buf_c,
                agg_sh, sem):
        c = lax.axis_index("c")
        s = lax.axis_index("s")
        cn = c * N

        @pl.when(s < ntl)
        def _init():
            pltpu.sync_copy(zero_hbm.at[pl.ds(s * rpt, rpt)],
                            agg_sh.at[pl.ds(s * rpt, rpt)])
        plsc.subcore_barrier()

        def chunk_body(k, carry):
            base = s * ept + k * CH
            pltpu.sync_copy(src_hbm.at[pl.ds(base, CH)], idx_s)
            pltpu.sync_copy(dst_hbm.at[pl.ds(base, CH)], idx_d)
            for g in range(CH // LANES):
                sl = pl.ds(g * LANES, LANES)
                idx_gs[sl] = idx_s[sl] + cn
                idx_gd[sl] = idx_d[sl] + cn
            d1 = pltpu.make_async_copy(pn_hbm.at[idx_gs], buf_a, sem)
            d2 = pltpu.make_async_copy(pd_hbm.at[idx_gd], buf_b, sem)
            d3 = pltpu.make_async_copy(
                epj_hbm.at[pl.ds(c * E + base, CH)], buf_c, sem)
            d1.start()
            d2.start()
            d3.start()
            d1.wait()
            d2.wait()
            d3.wait()

            def row_body(r, rcarry):
                for j in range(H // LANES):
                    sl = pl.ds(j * LANES, LANES)
                    v = buf_a[r, sl] + buf_b[r, sl] + buf_c[r, sl]
                    buf_a[r, sl] = jnp.maximum(v, 0.0)
                return rcarry

            lax.fori_loop(0, CH, row_body, 0)

            pltpu.sync_copy(buf_a,
                            enew_hbm.at[pl.ds(base, CH), pl.ds(c * H, H)])
            pltpu.sync_copy(buf_a, agg_sh.at[idx_d], add=True)
            return carry

        lax.fori_loop(0, nch, chunk_body, 0)
        plsc.subcore_barrier()

        @pl.when(s < ntl)
        def _writeback():
            pltpu.sync_copy(agg_sh.at[pl.ds(s * rpt, rpt)],
                            agg_hbm.at[pl.ds(cn + s * rpt, rpt)])

    return sc_edge


def kernel(nodes, edges, edge_index, W_e, b_e, W_n, b_n):
    N, D = nodes.shape
    E, De = edges.shape
    H = D // 2

    W1 = W_e[:D]
    W2 = W_e[D:2 * D]
    W3 = W_e[2 * D:]
    src = edge_index[0]
    dst = edge_index[1]

    BN = 2000
    NB = N // BN
    pn2, pd2 = pl.pallas_call(
        _proj_nodes_kernel,
        grid=(2, NB),
        in_specs=[
            pl.BlockSpec((BN, D), lambda h, i: (i, 0)),
            pl.BlockSpec((D, H), lambda h, i: (0, h)),
            pl.BlockSpec((D, H), lambda h, i: (0, h)),
        ],
        out_specs=[
            pl.BlockSpec((BN, H), lambda h, i: (h * NB + i, 0)),
            pl.BlockSpec((BN, H), lambda h, i: (h * NB + i, 0)),
        ],
        out_shape=[
            jax.ShapeDtypeStruct((2 * N, H), jnp.float32),
            jax.ShapeDtypeStruct((2 * N, H), jnp.float32),
        ],
    )(nodes, W1, W2)

    BE = 8000
    NEB = E // BE
    epj2 = pl.pallas_call(
        _proj_edges_kernel,
        grid=(2, NEB),
        in_specs=[
            pl.BlockSpec((BE, De), lambda h, i: (i, 0)),
            pl.BlockSpec((De, H), lambda h, i: (0, h)),
            pl.BlockSpec((H,), lambda h, i: (h,)),
        ],
        out_specs=pl.BlockSpec((BE, H), lambda h, i: (h * NEB + i, 0)),
        out_shape=jax.ShapeDtypeStruct((2 * E, H), jnp.float32),
    )(edges, W3, b_e)

    zeros = jnp.zeros((2 * N, H), jnp.float32)
    sc_edge = _make_sc_edge_kernel(N, E, H, 80)
    enew, agg2 = sc_edge(pn2, pd2, epj2, src, dst, zeros)

    BN2 = 2000
    NB2 = N // BN2
    n_new = pl.pallas_call(
        _node_update_kernel,
        grid=(NB2,),
        in_specs=[
            pl.BlockSpec((BN2, D), lambda i: (i, 0)),
            pl.BlockSpec((BN2, H), lambda i: (i, 0)),
            pl.BlockSpec((BN2, H), lambda i: (NB2 + i, 0)),
            pl.BlockSpec((2 * D, D), lambda i: (0, 0)),
            pl.BlockSpec((D,), lambda i: (0,)),
        ],
        out_specs=pl.BlockSpec((BN2, D), lambda i: (i, 0)),
        out_shape=jax.ShapeDtypeStruct((N, D), jnp.float32),
    )(nodes, agg2, agg2, W_n, b_n)

    return (n_new, enew)

# --- scband reference (transcript-rebuilt; emitter-appended) ---
"""Pipeline reference for scband-message-passing-layer-12266426597864 (READ-ONLY COPY).

The authoritative reference and input builder live on the scoring server;
editing this copy changes nothing except your own understanding.
"""

import jax, jax.numpy as jnp
import numpy as np

N_NODES = 10000
N_EDGES = 160000
D_FEAT = 256
D_EDGE = 16


def setup_inputs(seed: int = 0) -> dict:
    key = jax.random.key(seed)
    k1, k2, k3, k4, k5, k6, k7 = jax.random.split(key, 7)
    nodes = jax.random.normal(k1, (N_NODES, D_FEAT), dtype=jnp.float32)
    edges = jax.random.normal(k2, (N_EDGES, D_EDGE), dtype=jnp.float32)
    edge_index = jax.random.randint(k3, (2, N_EDGES), 0, N_NODES, dtype=jnp.int32)
    # Learned parameters for the concrete message-passing layer:
    # edge-update MLP: concat(src_nodes, dst_nodes, edges) -> D_FEAT
    d_e_in = 2 * D_FEAT + D_EDGE
    W_e = jax.random.normal(k4, (d_e_in, D_FEAT), dtype=jnp.float32) / np.sqrt(d_e_in)
    b_e = jnp.zeros((D_FEAT,), dtype=jnp.float32)
    # node-update MLP: concat(nodes, aggregated_edges) -> D_FEAT
    d_n_in = 2 * D_FEAT
    W_n = jax.random.normal(k5, (d_n_in, D_FEAT), dtype=jnp.float32) / np.sqrt(d_n_in)
    b_n = jnp.zeros((D_FEAT,), dtype=jnp.float32)
    return {"nodes": nodes, "edges": edges, "edge_index": edge_index, "W_e": W_e, "b_e": b_e, "W_n": W_n, "b_n": b_n}


def reference(nodes, edges, edge_index, W_e, b_e, W_n, b_n):
    # GraphUpdate order (per the haiku module):
    # 1) edges = update_edges_fn(nodes, edges)
    # 2) aggregated = aggregate_edges_for_nodes_fn(nodes, edges)
    # 3) nodes = update_nodes_fn(nodes, aggregated)
    src = edge_index[0]
    dst = edge_index[1]
    # update_edges_fn: MLP over concat of endpoint node features and edge features
    src_feat = jnp.take(nodes, src, axis=0)
    dst_feat = jnp.take(nodes, dst, axis=0)
    e_in = jnp.concatenate([src_feat, dst_feat, edges], axis=-1)
    e_new = jax.nn.relu(e_in @ W_e + b_e)
    # aggregate_edges_for_nodes_fn: scatter-add messages to destination nodes
    aggregated = jax.ops.segment_sum(e_new, dst, num_segments=nodes.shape[0])
    # update_nodes_fn: MLP over concat of node features and aggregated messages
    n_in = jnp.concatenate([nodes, aggregated], axis=-1)
    n_new = jax.nn.relu(n_in @ W_n + b_n)
    # Returns updated Graph(nodes, edges)
    return (n_new, e_new)

if __name__ == "__main__":
    import jax
    _d = setup_inputs()
    print(jax.jit(kernel)(*tuple(_d.values())))

</pallas_src>

<mosaic_0001>
#map = affine_map<(d0, d1) -> (0, 0)>
#map1 = affine_map<(d0, d1) -> (0)>
module attributes {stable_mosaic.version = 14 : i64} {
  func.func @sc_edge(%arg0: i32, %arg1: i32, %arg2: memref<20000x128xf32, #tpu.memory_space<hbm>>, %arg3: memref<20000x128xf32, #tpu.memory_space<hbm>>, %arg4: memref<320000x128xf32, #tpu.memory_space<hbm>>, %arg5: memref<160000xi32, #tpu.memory_space<hbm>>, %arg6: memref<160000xi32, #tpu.memory_space<hbm>>, %arg7: memref<20000x128xf32, #tpu.memory_space<hbm>>, %arg8: memref<160000x256xf32, #tpu.memory_space<hbm>>, %arg9: memref<20000x128xf32, #tpu.memory_space<hbm>>, %arg10: memref<80xi32, #tpu.memory_space<vmem>>, %arg11: memref<80xi32, #tpu.memory_space<vmem>>, %arg12: memref<80xi32, #tpu.memory_space<vmem>>, %arg13: memref<80xi32, #tpu.memory_space<vmem>>, %arg14: memref<80x128xf32, #tpu.memory_space<vmem>>, %arg15: memref<80x128xf32, #tpu.memory_space<vmem>>, %arg16: memref<80x128xf32, #tpu.memory_space<vmem>>, %arg17: memref<10000x128xf32, #tpu.memory_space<vmem_shared>>, %arg18: memref<!tpu.dma_semaphore, #tpu.memory_space<semaphore_mem>>) attributes {dimension_semantics = [#tpu.dimension_semantics<core_parallel>, #tpu.dimension_semantics<subcore_parallel>], iteration_bounds = array<i64: 2, 16>, scalar_prefetch = 0 : i64, scratch_operands = 9 : i64, tpu.core_type = #tpu.core_type<sc_vector_subcore>, window_params = [{transform_indices = #map}, {transform_indices = #map}, {transform_indices = #map}, {transform_indices = #map1}, {transform_indices = #map1}, {transform_indices = #map}, {transform_indices = #map}, {transform_indices = #map}]} {
    %mul3A = arith.constant 10000 : i32
    %mul3A_0 = arith.muli %arg0, %mul3A : i32
    %lt3A = arith.constant 10 : i32
    %lt3A_1 = arith.cmpi slt, %arg1, %lt3A : i32
    %convert_element_type3A = arith.extui %lt3A_1 : i1 to i32
    %cond3A = arith.constant 0 : i32
    %cond3A_2 = arith.cmpi ne, %convert_element_type3A, %cond3A : i32
    scf.if %cond3A_2 {
      %mul3A_14 = arith.constant 1000 : i32
      %mul3A_15 = arith.muli %arg1, %mul3A_14 : i32
      %mul3A_16 = arith.constant 1000 : i32
      %mul3A_17 = arith.muli %arg1, %mul3A_16 : i32
      "tpu.region"() ({
        %run_scoped3A = tpu.sem_alloc : memref<!tpu.dma_semaphore, #tpu.memory_space<semaphore_mem>>
        %dma_start3A = arith.constant 0 : i32
        %dma_start3A_18 = tpu.memref_slice %arg17[%mul3A_17, %dma_start3A] : memref<10000x128xf32, #tpu.memory_space<vmem_shared>> -> memref<1000x128xf32, #tpu.memory_space<vmem_shared>>
        %dma_start3A_19 = arith.constant 0 : i32
        %dma_start3A_20 = tpu.memref_slice %arg7[%mul3A_15, %dma_start3A_19] : memref<20000x128xf32, #tpu.memory_space<hbm>> -> memref<1000x128xf32, #tpu.memory_space<hbm>>
        tpu.enqueue_dma source(%dma_start3A_20 : memref<1000x128xf32, #tpu.memory_space<hbm>>) target(%dma_start3A_18 : memref<1000x128xf32, #tpu.memory_space<vmem_shared>>) target_semaphore(%run_scoped3A : memref<!tpu.dma_semaphore, #tpu.memory_space<semaphore_mem>>)
        %dma_wait3A = arith.constant 0 : i32
        %dma_wait3A_21 = tpu.memref_slice %arg17[%mul3A_17, %dma_wait3A] : memref<10000x128xf32, #tpu.memory_space<vmem_shared>> -> memref<1000x128xf32, #tpu.memory_space<vmem_shared>>
        %dma_wait3A_22 = arith.constant 0 : i32
        %dma_wait3A_23 = tpu.memref_slice %arg7[%mul3A_15, %dma_wait3A_22] : memref<20000x128xf32, #tpu.memory_space<hbm>> -> memref<1000x128xf32, #tpu.memory_space<hbm>>
        tpu.wait_dma2 semaphore(%run_scoped3A : memref<!tpu.dma_semaphore, #tpu.memory_space<semaphore_mem>>) src(%dma_wait3A_23 : memref<1000x128xf32, #tpu.memory_space<hbm>>) dst(%dma_wait3A_21 : memref<1000x128xf32, #tpu.memory_space<vmem_shared>>)
        tpu.yield
      }) : () -> ()
    } else {
    }
    %barrier3A = arith.constant 0 : index
    tpu.barrier barrier_id(%barrier3A)
    %scan3A = arith.constant 0 : i32
    %scan3A_3 = arith.constant 0 : i32
    %scan3A_4 = arith.constant 125 : i32
    %scan3A_5 = arith.addi %scan3A_3, %scan3A_4 : i32
    %scan3A_6 = arith.constant 1 : i32
    scf.for %scan3A_14 = %scan3A_3 to %scan3A_5 step %scan3A_6  : i32 {
      %mul3A_15 = arith.constant 10000 : i32
      %mul3A_16 = arith.muli %arg1, %mul3A_15 : i32
      %mul3A_17 = arith.constant 80 : i32
      %mul3A_18 = arith.muli %scan3A_14, %mul3A_17 : i32
      %add3A = arith.addi %mul3A_16, %mul3A_18 : i32
      "tpu.region"() ({
        %run_scoped3A = tpu.sem_alloc : memref<!tpu.dma_semaphore, #tpu.memory_space<semaphore_mem>>
        %dma_start3A_136 = tpu.memref_slice %arg5[%add3A] : memref<160000xi32, #tpu.memory_space<hbm>> -> memref<80xi32, #tpu.memory_space<hbm>>
        %dma_start3A_137 = tpu.memref_slice %arg5[%add3A] : memref<160000xi32, #tpu.memory_space<hbm>> -> memref<80xi32, #tpu.memory_space<hbm>>
        tpu.enqueue_dma source(%dma_start3A_137 : memref<80xi32, #tpu.memory_space<hbm>>) target(%arg10 : memref<80xi32, #tpu.memory_space<vmem>>) target_semaphore(%run_scoped3A : memref<!tpu.dma_semaphore, #tpu.memory_space<semaphore_mem>>)
        %dma_wait3A_138 = tpu.memref_slice %arg5[%add3A] : memref<160000xi32, #tpu.memory_space<hbm>> -> memref<80xi32, #tpu.memory_space<hbm>>
        %dma_wait3A_139 = tpu.memref_slice %arg5[%add3A] : memref<160000xi32, #tpu.memory_space<hbm>> -> memref<80xi32, #tpu.memory_space<hbm>>
        tpu.wait_dma2 semaphore(%run_scoped3A : memref<!tpu.dma_semaphore, #tpu.memory_space<semaphore_mem>>) src(%dma_wait3A_139 : memref<80xi32, #tpu.memory_space<hbm>>) dst(%arg10 : memref<80xi32, #tpu.memory_space<vmem>>)
        tpu.yield
      }) : () -> ()
      "tpu.region"() ({
        %run_scoped3A = tpu.sem_alloc : memref<!tpu.dma_semaphore, #tpu.memory_space<semaphore_mem>>
        %dma_start3A_136 = tpu.memref_slice %arg6[%add3A] : memref<160000xi32, #tpu.memory_space<hbm>> -> memref<80xi32, #tpu.memory_space<hbm>>
        %dma_start3A_137 = tpu.memref_slice %arg6[%add3A] : memref<160000xi32, #tpu.memory_space<hbm>> -> memref<80xi32, #tpu.memory_space<hbm>>
        tpu.enqueue_dma source(%dma_start3A_137 : memref<80xi32, #tpu.memory_space<hbm>>) target(%arg11 : memref<80xi32, #tpu.memory_space<vmem>>) target_semaphore(%run_scoped3A : memref<!tpu.dma_semaphore, #tpu.memory_space<semaphore_mem>>)
        %dma_wait3A_138 = tpu.memref_slice %arg6[%add3A] : memref<160000xi32, #tpu.memory_space<hbm>> -> memref<80xi32, #tpu.memory_space<hbm>>
        %dma_wait3A_139 = tpu.memref_slice %arg6[%add3A] : memref<160000xi32, #tpu.memory_space<hbm>> -> memref<80xi32, #tpu.memory_space<hbm>>
        tpu.wait_dma2 semaphore(%run_scoped3A : memref<!tpu.dma_semaphore, #tpu.memory_space<semaphore_mem>>) src(%dma_wait3A_139 : memref<80xi32, #tpu.memory_space<hbm>>) dst(%arg11 : memref<80xi32, #tpu.memory_space<vmem>>)
        tpu.yield
      }) : () -> ()
      %get3A = arith.constant 0 : index
      %get3A_19 = tpu.vector_load %arg10[%get3A] {strides = array<i32>} : memref<80xi32, #tpu.memory_space<vmem>>, vector<16xi32>,
      %get3A_20 = vector.shape_cast %get3A_19 : vector<16xi32> to vector<16xi32>
      %add3A_21 = vector.broadcast %mul3A_0 : i32 to vector<16xi32>
      %add3A_22 = arith.addi %get3A_20, %add3A_21 : vector<16xi32>
      %swap3A = arith.constant 0 : index
      %swap3A_23 = tpu.vector_load %arg12[%swap3A] {strides = array<i32>} : memref<80xi32, #tpu.memory_space<vmem>>, vector<16xi32>,
      %swap3A_24 = vector.shape_cast %swap3A_23 : vector<16xi32> to vector<16xi32>
      %swap3A_25 = vector.shape_cast %add3A_22 : vector<16xi32> to vector<16xi32>
      tpu.vector_store %arg12[%swap3A], %swap3A_25 {strides = array<i32>} : memref<80xi32, #tpu.memory_space<vmem>>, vector<16xi32>,
      %get3A_26 = arith.constant 0 : index
      %get3A_27 = tpu.vector_load %arg11[%get3A_26] {strides = array<i32>} : memref<80xi32, #tpu.memory_space<vmem>>, vector<16xi32>,
      %get3A_28 = vector.shape_cast %get3A_27 : vector<16xi32> to vector<16xi32>
      %add3A_29 = vector.broadcast %mul3A_0 : i32 to vector<16xi32>
      %add3A_30 = arith.addi %get3A_28, %add3A_29 : vector<16xi32>
      %swap3A_31 = arith.constant 0 : index
      %swap3A_32 = tpu.vector_load %arg13[%swap3A_31] {strides = array<i32>} : memref<80xi32, #tpu.memory_space<vmem>>, vector<16xi32>,
      %swap3A_33 = vector.shape_cast %swap3A_32 : vector<16xi32> to vector<16xi32>
      %swap3A_34 = vector.shape_cast %add3A_30 : vector<16xi32> to vector<16xi32>
      tpu.vector_store %arg13[%swap3A_31], %swap3A_34 {strides = array<i32>} : memref<80xi32, #tpu.memory_space<vmem>>, vector<16xi32>,
      %get3A_35 = arith.constant 16 : index
      %get3A_36 = tpu.vector_load %arg10[%get3A_35] {strides = array<i32>} : memref<80xi32, #tpu.memory_space<vmem>>, vector<16xi32>,
      %get3A_37 = vector.shape_cast %get3A_36 : vector<16xi32> to vector<16xi32>
      %add3A_38 = vector.broadcast %mul3A_0 : i32 to vector<16xi32>
      %add3A_39 = arith.addi %get3A_37, %add3A_38 : vector<16xi32>
      %swap3A_40 = arith.constant 16 : index
      %swap3A_41 = tpu.vector_load %arg12[%swap3A_40] {strides = array<i32>} : memref<80xi32, #tpu.memory_space<vmem>>, vector<16xi32>,
      %swap3A_42 = vector.shape_cast %swap3A_41 : vector<16xi32> to vector<16xi32>
      %swap3A_43 = vector.shape_cast %add3A_39 : vector<16xi32> to vector<16xi32>
      tpu.vector_store %arg12[%swap3A_40], %swap3A_43 {strides = array<i32>} : memref<80xi32, #tpu.memory_space<vmem>>, vector<16xi32>,
      %get3A_44 = arith.constant 16 : index
      %get3A_45 = tpu.vector_load %arg11[%get3A_44] {strides = array<i32>} : memref<80xi32, #tpu.memory_space<vmem>>, vector<16xi32>,
      %get3A_46 = vector.shape_cast %get3A_45 : vector<16xi32> to vector<16xi32>
      %add3A_47 = vector.broadcast %mul3A_0 : i32 to vector<16xi32>
      %add3A_48 = arith.addi %get3A_46, %add3A_47 : vector<16xi32>
      %swap3A_49 = arith.constant 16 : index
      %swap3A_50 = tpu.vector_load %arg13[%swap3A_49] {strides = array<i32>} : memref<80xi32, #tpu.memory_space<vmem>>, vector<16xi32>,
      %swap3A_51 = vector.shape_cast %swap3A_50 : vector<16xi32> to vector<16xi32>
      %swap3A_52 = vector.shape_cast %add3A_48 : vector<16xi32> to vector<16xi32>
      tpu.vector_store %arg13[%swap3A_49], %swap3A_52 {strides = array<i32>} : memref<80xi32, #tpu.memory_space<vmem>>, vector<16xi32>,
      %get3A_53 = arith.constant 32 : index
      %get3A_54 = tpu.vector_load %arg10[%get3A_53] {strides = array<i32>} : memref<80xi32, #tpu.memory_space<vmem>>, vector<16xi32>,
      %get3A_55 = vector.shape_cast %get3A_54 : vector<16xi32> to vector<16xi32>
      %add3A_56 = vector.broadcast %mul3A_0 : i32 to vector<16xi32>
      %add3A_57 = arith.addi %get3A_55, %add3A_56 : vector<16xi32>
      %swap3A_58 = arith.constant 32 : index
      %swap3A_59 = tpu.vector_load %arg12[%swap3A_58] {strides = array<i32>} : memref<80xi32, #tpu.memory_space<vmem>>, vector<16xi32>,
      %swap3A_60 = vector.shape_cast %swap3A_59 : vector<16xi32> to vector<16xi32>
      %swap3A_61 = vector.shape_cast %add3A_57 : vector<16xi32> to vector<16xi32>
      tpu.vector_store %arg12[%swap3A_58], %swap3A_61 {strides = array<i32>} : memref<80xi32, #tpu.memory_space<vmem>>, vector<16xi32>,
      %get3A_62 = arith.constant 32 : index
      %get3A_63 = tpu.vector_load %arg11[%get3A_62] {strides = array<i32>} : memref<80xi32, #tpu.memory_space<vmem>>, vector<16xi32>,
      %get3A_64 = vector.shape_cast %get3A_63 : vector<16xi32> to vector<16xi32>
      %add3A_65 = vector.broadcast %mul3A_0 : i32 to vector<16xi32>
      %add3A_66 = arith.addi %get3A_64, %add3A_65 : vector<16xi32>
      %swap3A_67 = arith.constant 32 : index
      %swap3A_68 = tpu.vector_load %arg13[%swap3A_67] {strides = array<i32>} : memref<80xi32, #tpu.memory_space<vmem>>, vector<16xi32>,
      %swap3A_69 = vector.shape_cast %swap3A_68 : vector<16xi32> to vector<16xi32>
      %swap3A_70 = vector.shape_cast %add3A_66 : vector<16xi32> to vector<16xi32>
      tpu.vector_store %arg13[%swap3A_67], %swap3A_70 {strides = array<i32>} : memref<80xi32, #tpu.memory_space<vmem>>, vector<16xi32>,
      %get3A_71 = arith.constant 48 : index
      %get3A_72 = tpu.vector_load %arg10[%get3A_71] {strides = array<i32>} : memref<80xi32, #tpu.memory_space<vmem>>, vector<16xi32>,
      %get3A_73 = vector.shape_cast %get3A_72 : vector<16xi32> to vector<16xi32>
      %add3A_74 = vector.broadcast %mul3A_0 : i32 to vector<16xi32>
      %add3A_75 = arith.addi %get3A_73, %add3A_74 : vector<16xi32>
      %swap3A_76 = arith.constant 48 : index
      %swap3A_77 = tpu.vector_load %arg12[%swap3A_76] {strides = array<i32>} : memref<80xi32, #tpu.memory_space<vmem>>, vector<16xi32>,
      %swap3A_78 = vector.shape_cast %swap3A_77 : vector<16xi32> to vector<16xi32>
      %swap3A_79 = vector.shape_cast %add3A_75 : vector<16xi32> to vector<16xi32>
      tpu.vector_store %arg12[%swap3A_76], %swap3A_79 {strides = array<i32>} : memref<80xi32, #tpu.memory_space<vmem>>, vector<16xi32>,
      %get3A_80 = arith.constant 48 : index
      %get3A_81 = tpu.vector_load %arg11[%get3A_80] {strides = array<i32>} : memref<80xi32, #tpu.memory_space<vmem>>, vector<16xi32>,
      %get3A_82 = vector.shape_cast %get3A_81 : vector<16xi32> to vector<16xi32>
      %add3A_83 = vector.broadcast %mul3A_0 : i32 to vector<16xi32>
      %add3A_84 = arith.addi %get3A_82, %add3A_83 : vector<16xi32>
      %swap3A_85 = arith.constant 48 : index
      %swap3A_86 = tpu.vector_load %arg13[%swap3A_85] {strides = array<i32>} : memref<80xi32, #tpu.memory_space<vmem>>, vector<16xi32>,
      %swap3A_87 = vector.shape_cast %swap3A_86 : vector<16xi32> to vector<16xi32>
      %swap3A_88 = vector.shape_cast %add3A_84 : vector<16xi32> to vector<16xi32>
      tpu.vector_store %arg13[%swap3A_85], %swap3A_88 {strides = array<i32>} : memref<80xi32, #tpu.memory_space<vmem>>, vector<16xi32>,
      %get3A_89 = arith.constant 64 : index
      %get3A_90 = tpu.vector_load %arg10[%get3A_89] {strides = array<i32>} : memref<80xi32, #tpu.memory_space<vmem>>, vector<16xi32>,
      %get3A_91 = vector.shape_cast %get3A_90 : vector<16xi32> to vector<16xi32>
      %add3A_92 = vector.broadcast %mul3A_0 : i32 to vector<16xi32>
      %add3A_93 = arith.addi %get3A_91, %add3A_92 : vector<16xi32>
      %swap3A_94 = arith.constant 64 : index
      %swap3A_95 = tpu.vector_load %arg12[%swap3A_94] {strides = array<i32>} : memref<80xi32, #tpu.memory_space<vmem>>, vector<16xi32>,
      %swap3A_96 = vector.shape_cast %swap3A_95 : vector<16xi32> to vector<16xi32>
      %swap3A_97 = vector.shape_cast %add3A_93 : vector<16xi32> to vector<16xi32>
      tpu.vector_store %arg12[%swap3A_94], %swap3A_97 {strides = array<i32>} : memref<80xi32, #tpu.memory_space<vmem>>, vector<16xi32>,
      %get3A_98 = arith.constant 64 : index
      %get3A_99 = tpu.vector_load %arg11[%get3A_98] {strides = array<i32>} : memref<80xi32, #tpu.memory_space<vmem>>, vector<16xi32>,
      %get3A_100 = vector.shape_cast %get3A_99 : vector<16xi32> to vector<16xi32>
      %add3A_101 = vector.broadcast %mul3A_0 : i32 to vector<16xi32>
      %add3A_102 = arith.addi %get3A_100, %add3A_101 : vector<16xi32>
      %swap3A_103 = arith.constant 64 : index
      %swap3A_104 = tpu.vector_load %arg13[%swap3A_103] {strides = array<i32>} : memref<80xi32, #tpu.memory_space<vmem>>, vector<16xi32>,
      %swap3A_105 = vector.shape_cast %swap3A_104 : vector<16xi32> to vector<16xi32>
      %swap3A_106 = vector.shape_cast %add3A_102 : vector<16xi32> to vector<16xi32>
      tpu.vector_store %arg13[%swap3A_103], %swap3A_106 {strides = array<i32>} : memref<80xi32, #tpu.memory_space<vmem>>, vector<16xi32>,
      %mul3A_107 = arith.constant 160000 : i32
      %mul3A_108 = arith.muli %arg0, %mul3A_107 : i32
      %add3A_109 = arith.addi %mul3A_108, %add3A : i32
      %dma_start3A = arith.constant 0 : i32
      %dma_start3A_110 = arith.constant 0 : i32
      %dma_start3A_111 = tpu.memref_slice %arg2[%dma_start3A, %dma_start3A_110] : memref<20000x128xf32, #tpu.memory_space<hbm>> -> memref<20000x128xf32, #tpu.memory_space<hbm>>
      tpu.enqueue_indirect_dma source(%dma_start3A_111 : memref<20000x128xf32, #tpu.memory_space<hbm>>) target(%arg14 : memref<80x128xf32, #tpu.memory_space<vmem>>) offsets(%arg12 : memref<80xi32, #tpu.memory_space<vmem>>) semaphore(%arg18 : memref<!tpu.dma_semaphore, #tpu.memory_space<semaphore_mem>>)
      %dma_start3A_112 = arith.constant 0 : i32
      %dma_start3A_113 = arith.constant 0 : i32
      %dma_start3A_114 = tpu.memref_slice %arg3[%dma_start3A_112, %dma_start3A_113] : memref<20000x128xf32, #tpu.memory_space<hbm>> -> memref<20000x128xf32, #tpu.memory_space<hbm>>
      tpu.enqueue_indirect_dma source(%dma_start3A_114 : memref<20000x128xf32, #tpu.memory_space<hbm>>) target(%arg15 : memref<80x128xf32, #tpu.memory_space<vmem>>) offsets(%arg13 : memref<80xi32, #tpu.memory_space<vmem>>) semaphore(%arg18 : memref<!tpu.dma_semaphore, #tpu.memory_space<semaphore_mem>>)
      %dma_start3A_115 = arith.constant 0 : i32
      %dma_start3A_116 = tpu.memref_slice %arg4[%add3A_109, %dma_start3A_115] : memref<320000x128xf32, #tpu.memory_space<hbm>> -> memref<80x128xf32, #tpu.memory_space<hbm>>
      %dma_start3A_117 = arith.constant 0 : i32
      %dma_start3A_118 = tpu.memref_slice %arg4[%add3A_109, %dma_start3A_117] : memref<320000x128xf32, #tpu.memory_space<hbm>> -> memref<80x128xf32, #tpu.memory_space<hbm>>
      tpu.enqueue_dma source(%dma_start3A_118 : memref<80x128xf32, #tpu.memory_space<hbm>>) target(%arg16 : memref<80x128xf32, #tpu.memory_space<vmem>>) target_semaphore(%arg18 : memref<!tpu.dma_semaphore, #tpu.memory_space<semaphore_mem>>)
      %dma_wait3A = arith.constant 0 : i32
      %dma_wait3A_119 = arith.constant 0 : i32
      %dma_wait3A_120 = tpu.memref_slice %arg2[%dma_wait3A, %dma_wait3A_119] : memref<20000x128xf32, #tpu.memory_space<hbm>> -> memref<20000x128xf32, #tpu.memory_space<hbm>>
      tpu.wait_indirect_dma semaphore(%arg18 : memref<!tpu.dma_semaphore, #tpu.memory_space<semaphore_mem>>) src(%dma_wait3A_120 : memref<20000x128xf32, #tpu.memory_space<hbm>>) dst(%arg14 : memref<80x128xf32, #tpu.memory_space<vmem>>)
      %dma_wait3A_121 = arith.constant 0 : i32
      %dma_wait3A_122 = arith.constant 0 : i32
      %dma_wait3A_123 = tpu.memref_slice %arg3[%dma_wait3A_121, %dma_wait3A_122] : memref<20000x128xf32, #tpu.memory_space<hbm>> -> memref<20000x128xf32, #tpu.memory_space<hbm>>
      tpu.wait_indirect_dma semaphore(%arg18 : memref<!tpu.dma_semaphore, #tpu.memory_space<semaphore_mem>>) src(%dma_wait3A_123 : memref<20000x128xf32, #tpu.memory_space<hbm>>) dst(%arg15 : memref<80x128xf32, #tpu.memory_space<vmem>>)
      %dma_wait3A_124 = arith.constant 0 : i32
      %dma_wait3A_125 = tpu.memref_slice %arg4[%add3A_109, %dma_wait3A_124] : memref<320000x128xf32, #tpu.memory_space<hbm>> -> memref<80x128xf32, #tpu.memory_space<hbm>>
      %dma_wait3A_126 = arith.constant 0 : i32
      %dma_wait3A_127 = tpu.memref_slice %arg4[%add3A_109, %dma_wait3A_126] : memref<320000x128xf32, #tpu.memory_space<hbm>> -> memref<80x128xf32, #tpu.memory_space<hbm>>
      tpu.wait_dma2 semaphore(%arg18 : memref<!tpu.dma_semaphore, #tpu.memory_space<semaphore_mem>>) src(%dma_wait3A_127 : memref<80x128xf32, #tpu.memory_space<hbm>>) dst(%arg16 : memref<80x128xf32, #tpu.memory_space<vmem>>)
      %scan3A_128 = arith.constant 0 : i32
      %scan3A_129 = arith.constant 0 : i32
      %scan3A_130 = arith.constant 80 : i32
      %scan3A_131 = arith.addi %scan3A_129, %scan3A_130 : i32
      %scan3A_132 = arith.constant 1 : i32
      scf.for %scan3A_136 = %scan3A_129 to %scan3A_131 step %scan3A_132  : i32 {
        %get3A_137 = arith.index_cast %scan3A_136 : i32 to index
        %get3A_138 = arith.constant 0 : index
        %get3A_139 = tpu.vector_load %arg14[%get3A_137, %get3A_138] {strides = array<i32>} : memref<80x128xf32, #tpu.memory_space<vmem>>, vector<1x16xf32>,
        %get3A_140 = vector.shape_cast %get3A_139 : vector<1x16xf32> to vector<16xf32>
        %get3A_141 = arith.index_cast %scan3A_136 : i32 to index
        %get3A_142 = arith.constant 0 : index
        %get3A_143 = tpu.vector_load %arg15[%get3A_141, %get3A_142] {strides = array<i32>} : memref<80x128xf32, #tpu.memory_space<vmem>>, vector<1x16xf32>,
        %get3A_144 = vector.shape_cast %get3A_143 : vector<1x16xf32> to vector<16xf32>
        %add3A_145 = arith.addf %get3A_140, %get3A_144 : vector<16xf32>
        %get3A_146 = arith.index_cast %scan3A_136 : i32 to index
        %get3A_147 = arith.constant 0 : index
        %get3A_148 = tpu.vector_load %arg16[%get3A_146, %get3A_147] {strides = array<i32>} : memref<80x128xf32, #tpu.memory_space<vmem>>, vector<1x16xf32>,
        %get3A_149 = vector.shape_cast %get3A_148 : vector<1x16xf32> to vector<16xf32>
        %add3A_150 = arith.addf %add3A_145, %get3A_149 : vector<16xf32>
        %max3A = arith.constant 0.000000e+00 : f32
        %max3A_151 = vector.broadcast %max3A : f32 to vector<16xf32>
        %max3A_152 = arith.maximumf %add3A_150, %max3A_151 : vector<16xf32>
        %swap3A_153 = arith.index_cast %scan3A_136 : i32 to index
        %swap3A_154 = arith.constant 0 : index
        %swap3A_155 = tpu.vector_load %arg14[%swap3A_153, %swap3A_154] {strides = array<i32>} : memref<80x128xf32, #tpu.memory_space<vmem>>, vector<1x16xf32>,
        %swap3A_156 = vector.shape_cast %swap3A_155 : vector<1x16xf32> to vector<16xf32>
        %swap3A_157 = vector.shape_cast %max3A_152 : vector<16xf32> to vector<1x16xf32>
        tpu.vector_store %arg14[%swap3A_153, %swap3A_154], %swap3A_157 {strides = array<i32>} : memref<80x128xf32, #tpu.memory_space<vmem>>, vector<1x16xf32>,
        %get3A_158 = arith.index_cast %scan3A_136 : i32 to index
        %get3A_159 = arith.constant 16 : index
        %get3A_160 = tpu.vector_load %arg14[%get3A_158, %get3A_159] {strides = array<i32>} : memref<80x128xf32, #tpu.memory_space<vmem>>, vector<1x16xf32>,
        %get3A_161 = vector.shape_cast %get3A_160 : vector<1x16xf32> to vector<16xf32>
        %get3A_162 = arith.index_cast %scan3A_136 : i32 to index
        %get3A_163 = arith.constant 16 : index
        %get3A_164 = tpu.vector_load %arg15[%get3A_162, %get3A_163] {strides = array<i32>} : memref<80x128xf32, #tpu.memory_space<vmem>>, vector<1x16xf32>,
        %get3A_165 = vector.shape_cast %get3A_164 : vector<1x16xf32> to vector<16xf32>
        %add3A_166 = arith.addf %get3A_161, %get3A_165 : vector<16xf32>
        %get3A_167 = arith.index_cast %scan3A_136 : i32 to index
        %get3A_168 = arith.constant 16 : index
        %get3A_169 = tpu.vector_load %arg16[%get3A_167, %get3A_168] {strides = array<i32>} : memref<80x128xf32, #tpu.memory_space<vmem>>, vector<1x16xf32>,
        %get3A_170 = vector.shape_cast %get3A_169 : vector<1x16xf32> to vector<16xf32>
        %add3A_171 = arith.addf %add3A_166, %get3A_170 : vector<16xf32>
        %max3A_172 = arith.constant 0.000000e+00 : f32
        %max3A_173 = vector.broadcast %max3A_172 : f32 to vector<16xf32>
        %max3A_174 = arith.maximumf %add3A_171, %max3A_173 : vector<16xf32>
        %swap3A_175 = arith.index_cast %scan3A_136 : i32 to index
        %swap3A_176 = arith.constant 16 : index
        %swap3A_177 = tpu.vector_load %arg14[%swap3A_175, %swap3A_176] {strides = array<i32>} : memref<80x128xf32, #tpu.memory_space<vmem>>, vector<1x16xf32>,
        %swap3A_178 = vector.shape_cast %swap3A_177 : vector<1x16xf32> to vector<16xf32>
        %swap3A_179 = vector.shape_cast %max3A_174 : vector<16xf32> to vector<1x16xf32>
        tpu.vector_store %arg14[%swap3A_175, %swap3A_176], %swap3A_179 {strides = array<i32>} : memref<80x128xf32, #tpu.memory_space<vmem>>, vector<1x16xf32>,
        %get3A_180 = arith.index_cast %scan3A_136 : i32 to index
        %get3A_181 = arith.constant 32 : index
        %get3A_182 = tpu.vector_load %arg14[%get3A_180, %get3A_181] {strides = array<i32>} : memref<80x128xf32, #tpu.memory_space<vmem>>, vector<1x16xf32>,
        %get3A_183 = vector.shape_cast %get3A_182 : vector<1x16xf32> to vector<16xf32>
        %get3A_184 = arith.index_cast %scan3A_136 : i32 to index
        %get3A_185 = arith.constant 32 : index
        %get3A_186 = tpu.vector_load %arg15[%get3A_184, %get3A_185] {strides = array<i32>} : memref<80x128xf32, #tpu.memory_space<vmem>>, vector<1x16xf32>,
        %get3A_187 = vector.shape_cast %get3A_186 : vector<1x16xf32> to vector<16xf32>
        %add3A_188 = arith.addf %get3A_183, %get3A_187 : vector<16xf32>
        %get3A_189 = arith.index_cast %scan3A_136 : i32 to index
        %get3A_190 = arith.constant 32 : index
        %get3A_191 = tpu.vector_load %arg16[%get3A_189, %get3A_190] {strides = array<i32>} : memref<80x128xf32, #tpu.memory_space<vmem>>, vector<1x16xf32>,
        %get3A_192 = vector.shape_cast %get3A_191 : vector<1x16xf32> to vector<16xf32>
        %add3A_193 = arith.addf %add3A_188, %get3A_192 : vector<16xf32>
        %max3A_194 = arith.constant 0.000000e+00 : f32
        %max3A_195 = vector.broadcast %max3A_194 : f32 to vector<16xf32>
        %max3A_196 = arith.maximumf %add3A_193, %max3A_195 : vector<16xf32>
        %swap3A_197 = arith.index_cast %scan3A_136 : i32 to index
        %swap3A_198 = arith.constant 32 : index
        %swap3A_199 = tpu.vector_load %arg14[%swap3A_197, %swap3A_198] {strides = array<i32>} : memref<80x128xf32, #tpu.memory_space<vmem>>, vector<1x16xf32>,
        %swap3A_200 = vector.shape_cast %swap3A_199 : vector<1x16xf32> to vector<16xf32>
        %swap3A_201 = vector.shape_cast %max3A_196 : vector<16xf32> to vector<1x16xf32>
        tpu.vector_store %arg14[%swap3A_197, %swap3A_198], %swap3A_201 {strides = array<i32>} : memref<80x128xf32, #tpu.memory_space<vmem>>, vector<1x16xf32>,
        %get3A_202 = arith.index_cast %scan3A_136 : i32 to index
        %get3A_203 = arith.constant 48 : index
        %get3A_204 = tpu.vector_load %arg14[%get3A_202, %get3A_203] {strides = array<i32>} : memref<80x128xf32, #tpu.memory_space<vmem>>, vector<1x16xf32>,
        %get3A_205 = vector.shape_cast %get3A_204 : vector<1x16xf32> to vector<16xf32>
        %get3A_206 = arith.index_cast %scan3A_136 : i32 to index
        %get3A_207 = arith.constant 48 : index
        %get3A_208 = tpu.vector_load %arg15[%get3A_206, %get3A_207] {strides = array<i32>} : memref<80x128xf32, #tpu.memory_space<vmem>>, vector<1x16xf32>,
        %get3A_209 = vector.shape_cast %get3A_208 : vector<1x16xf32> to vector<16xf32>
        %add3A_210 = arith.addf %get3A_205, %get3A_209 : vector<16xf32>
        %get3A_211 = arith.index_cast %scan3A_136 : i32 to index
        %get3A_212 = arith.constant 48 : index
        %get3A_213 = tpu.vector_load %arg16[%get3A_211, %get3A_212] {strides = array<i32>} : memref<80x128xf32, #tpu.memory_space<vmem>>, vector<1x16xf32>,
        %get3A_214 = vector.shape_cast %get3A_213 : vector<1x16xf32> to vector<16xf32>
        %add3A_215 = arith.addf %add3A_210, %get3A_214 : vector<16xf32>
        %max3A_216 = arith.constant 0.000000e+00 : f32
        %max3A_217 = vector.broadcast %max3A_216 : f32 to vector<16xf32>
        %max3A_218 = arith.maximumf %add3A_215, %max3A_217 : vector<16xf32>
        %swap3A_219 = arith.index_cast %scan3A_136 : i32 to index
        %swap3A_220 = arith.constant 48 : index
        %swap3A_221 = tpu.vector_load %arg14[%swap3A_219, %swap3A_220] {strides = array<i32>} : memref<80x128xf32, #tpu.memory_space<vmem>>, vector<1x16xf32>,
        %swap3A_222 = vector.shape_cast %swap3A_221 : vector<1x16xf32> to vector<16xf32>
        %swap3A_223 = vector.shape_cast %max3A_218 : vector<16xf32> to vector<1x16xf32>
        tpu.vector_store %arg14[%swap3A_219, %swap3A_220], %swap3A_223 {strides = array<i32>} : memref<80x128xf32, #tpu.memory_space<vmem>>, vector<1x16xf32>,
        %get3A_224 = arith.index_cast %scan3A_136 : i32 to index
        %get3A_225 = arith.constant 64 : index
        %get3A_226 = tpu.vector_load %arg14[%get3A_224, %get3A_225] {strides = array<i32>} : memref<80x128xf32, #tpu.memory_space<vmem>>, vector<1x16xf32>,
        %get3A_227 = vector.shape_cast %get3A_226 : vector<1x16xf32> to vector<16xf32>
        %get3A_228 = arith.index_cast %scan3A_136 : i32 to index
        %get3A_229 = arith.constant 64 : index
        %get3A_230 = tpu.vector_load %arg15[%get3A_228, %get3A_229] {strides = array<i32>} : memref<80x128xf32, #tpu.memory_space<vmem>>, vector<1x16xf32>,
        %get3A_231 = vector.shape_cast %get3A_230 : vector<1x16xf32> to vector<16xf32>
        %add3A_232 = arith.addf %get3A_227, %get3A_231 : vector<16xf32>
        %get3A_233 = arith.index_cast %scan3A_136 : i32 to index
        %get3A_234 = arith.constant 64 : index
        %get3A_235 = tpu.vector_load %arg16[%get3A_233, %get3A_234] {strides = array<i32>} : memref<80x128xf32, #tpu.memory_space<vmem>>, vector<1x16xf32>,
        %get3A_236 = vector.shape_cast %get3A_235 : vector<1x16xf32> to vector<16xf32>
        %add3A_237 = arith.addf %add3A_232, %get3A_236 : vector<16xf32>
        %max3A_238 = arith.constant 0.000000e+00 : f32
        %max3A_239 = vector.broadcast %max3A_238 : f32 to vector<16xf32>
        %max3A_240 = arith.maximumf %add3A_237, %max3A_239 : vector<16xf32>
        %swap3A_241 = arith.index_cast %scan3A_136 : i32 to index
        %swap3A_242 = arith.constant 64 : index
        %swap3A_243 = tpu.vector_load %arg14[%swap3A_241, %swap3A_242] {strides = array<i32>} : memref<80x128xf32, #tpu.memory_space<vmem>>, vector<1x16xf32>,
        %swap3A_244 = vector.shape_cast %swap3A_243 : vector<1x16xf32> to vector<16xf32>
        %swap3A_245 = vector.shape_cast %max3A_240 : vector<16xf32> to vector<1x16xf32>
        tpu.vector_store %arg14[%swap3A_241, %swap3A_242], %swap3A_245 {strides = array<i32>} : memref<80x128xf32, #tpu.memory_space<vmem>>, vector<1x16xf32>,
        %get3A_246 = arith.index_cast %scan3A_136 : i32 to index
        %get3A_247 = arith.constant 80 : index
        %get3A_248 = tpu.vector_load %arg14[%get3A_246, %get3A_247] {strides = array<i32>} : memref<80x128xf32, #tpu.memory_space<vmem>>, vector<1x16xf32>,
        %get3A_249 = vector.shape_cast %get3A_248 : vector<1x16xf32> to vector<16xf32>
        %get3A_250 = arith.index_cast %scan3A_136 : i32 to index
        %get3A_251 = arith.constant 80 : index
        %get3A_252 = tpu.vector_load %arg15[%get3A_250, %get3A_251] {strides = array<i32>} : memref<80x128xf32, #tpu.memory_space<vmem>>, vector<1x16xf32>,
        %get3A_253 = vector.shape_cast %get3A_252 : vector<1x16xf32> to vector<16xf32>
        %add3A_254 = arith.addf %get3A_249, %get3A_253 : vector<16xf32>
        %get3A_255 = arith.index_cast %scan3A_136 : i32 to index
        %get3A_256 = arith.constant 80 : index
        %get3A_257 = tpu.vector_load %arg16[%get3A_255, %get3A_256] {strides = array<i32>} : memref<80x128xf32, #tpu.memory_space<vmem>>, vector<1x16xf32>,
        %get3A_258 = vector.shape_cast %get3A_257 : vector<1x16xf32> to vector<16xf32>
        %add3A_259 = arith.addf %add3A_254, %get3A_258 : vector<16xf32>
        %max3A_260 = arith.constant 0.000000e+00 : f32
        %max3A_261 = vector.broadcast %max3A_260 : f32 to vector<16xf32>
        %max3A_262 = arith.maximumf %add3A_259, %max3A_261 : vector<16xf32>
        %swap3A_263 = arith.index_cast %scan3A_136 : i32 to index
        %swap3A_264 = arith.constant 80 : index
        %swap3A_265 = tpu.vector_load %arg14[%swap3A_263, %swap3A_264] {strides = array<i32>} : memref<80x128xf32, #tpu.memory_space<vmem>>, vector<1x16xf32>,
        %swap3A_266 = vector.shape_cast %swap3A_265 : vector<1x16xf32> to vector<16xf32>
        %swap3A_267 = vector.shape_cast %max3A_262 : vector<16xf32> to vector<1x16xf32>
        tpu.vector_store %arg14[%swap3A_263, %swap3A_264], %swap3A_267 {strides = array<i32>} : memref<80x128xf32, #tpu.memory_space<vmem>>, vector<1x16xf32>,
        %get3A_268 = arith.index_cast %scan3A_136 : i32 to index
        %get3A_269 = arith.constant 96 : index
        %get3A_270 = tpu.vector_load %arg14[%get3A_268, %get3A_269] {strides = array<i32>} : memref<80x128xf32, #tpu.memory_space<vmem>>, vector<1x16xf32>,
        %get3A_271 = vector.shape_cast %get3A_270 : vector<1x16xf32> to vector<16xf32>
        %get3A_272 = arith.index_cast %scan3A_136 : i32 to index
        %get3A_273 = arith.constant 96 : index
        %get3A_274 = tpu.vector_load %arg15[%get3A_272, %get3A_273] {strides = array<i32>} : memref<80x128xf32, #tpu.memory_space<vmem>>, vector<1x16xf32>,
        %get3A_275 = vector.shape_cast %get3A_274 : vector<1x16xf32> to vector<16xf32>
        %add3A_276 = arith.addf %get3A_271, %get3A_275 : vector<16xf32>
        %get3A_277 = arith.index_cast %scan3A_136 : i32 to index
        %get3A_278 = arith.constant 96 : index
        %get3A_279 = tpu.vector_load %arg16[%get3A_277, %get3A_278] {strides = array<i32>} : memref<80x128xf32, #tpu.memory_space<vmem>>, vector<1x16xf32>,
        %get3A_280 = vector.shape_cast %get3A_279 : vector<1x16xf32> to vector<16xf32>
        %add3A_281 = arith.addf %add3A_276, %get3A_280 : vector<16xf32>
        %max3A_282 = arith.constant 0.000000e+00 : f32
        %max3A_283 = vector.broadcast %max3A_282 : f32 to vector<16xf32>
        %max3A_284 = arith.maximumf %add3A_281, %max3A_283 : vector<16xf32>
        %swap3A_285 = arith.index_cast %scan3A_136 : i32 to index
        %swap3A_286 = arith.constant 96 : index
        %swap3A_287 = tpu.vector_load %arg14[%swap3A_285, %swap3A_286] {strides = array<i32>} : memref<80x128xf32, #tpu.memory_space<vmem>>, vector<1x16xf32>,
        %swap3A_288 = vector.shape_cast %swap3A_287 : vector<1x16xf32> to vector<16xf32>
        %swap3A_289 = vector.shape_cast %max3A_284 : vector<16xf32> to vector<1x16xf32>
        tpu.vector_store %arg14[%swap3A_285, %swap3A_286], %swap3A_289 {strides = array<i32>} : memref<80x128xf32, #tpu.memory_space<vmem>>, vector<1x16xf32>,
        %get3A_290 = arith.index_cast %scan3A_136 : i32 to index
        %get3A_291 = arith.constant 112 : index
        %get3A_292 = tpu.vector_load %arg14[%get3A_290, %get3A_291] {strides = array<i32>} : memref<80x128xf32, #tpu.memory_space<vmem>>, vector<1x16xf32>,
        %get3A_293 = vector.shape_cast %get3A_292 : vector<1x16xf32> to vector<16xf32>
        %get3A_294 = arith.index_cast %scan3A_136 : i32 to index
        %get3A_295 = arith.constant 112 : index
        %get3A_296 = tpu.vector_load %arg15[%get3A_294, %get3A_295] {strides = array<i32>} : memref<80x128xf32, #tpu.memory_space<vmem>>, vector<1x16xf32>,
        %get3A_297 = vector.shape_cast %get3A_296 : vector<1x16xf32> to vector<16xf32>
        %add3A_298 = arith.addf %get3A_293, %get3A_297 : vector<16xf32>
        %get3A_299 = arith.index_cast %scan3A_136 : i32 to index
        %get3A_300 = arith.constant 112 : index
        %get3A_301 = tpu.vector_load %arg16[%get3A_299, %get3A_300] {strides = array<i32>} : memref<80x128xf32, #tpu.memory_space<vmem>>, vector<1x16xf32>,
        %get3A_302 = vector.shape_cast %get3A_301 : vector<1x16xf32> to vector<16xf32>
        %add3A_303 = arith.addf %add3A_298, %get3A_302 : vector<16xf32>
        %max3A_304 = arith.constant 0.000000e+00 : f32
        %max3A_305 = vector.broadcast %max3A_304 : f32 to vector<16xf32>
        %max3A_306 = arith.maximumf %add3A_303, %max3A_305 : vector<16xf32>
        %swap3A_307 = arith.index_cast %scan3A_136 : i32 to index
        %swap3A_308 = arith.constant 112 : index
        %swap3A_309 = tpu.vector_load %arg14[%swap3A_307, %swap3A_308] {strides = array<i32>} : memref<80x128xf32, #tpu.memory_space<vmem>>, vector<1x16xf32>,
        %swap3A_310 = vector.shape_cast %swap3A_309 : vector<1x16xf32> to vector<16xf32>
        %swap3A_311 = vector.shape_cast %max3A_306 : vector<16xf32> to vector<1x16xf32>
        tpu.vector_store %arg14[%swap3A_307, %swap3A_308], %swap3A_311 {strides = array<i32>} : memref<80x128xf32, #tpu.memory_space<vmem>>, vector<1x16xf32>,
      }
      %scan3A_133 = arith.constant 80 : i32
      %mul3A_134 = arith.constant 128 : i32
      %mul3A_135 = arith.muli %arg0, %mul3A_134 : i32
      "tpu.region"() ({
        %run_scoped3A = tpu.sem_alloc : memref<!tpu.dma_semaphore, #tpu.memory_space<semaphore_mem>>
        %dma_start3A_136 = tpu.memref_slice %arg8[%add3A, %mul3A_135] : memref<160000x256xf32, #tpu.memory_space<hbm>> -> memref<80x128xf32, #tpu.memory_space<hbm>>
        %dma_start3A_137 = tpu.memref_slice %arg8[%add3A, %mul3A_135] : memref<160000x256xf32, #tpu.memory_space<hbm>> -> memref<80x128xf32, #tpu.memory_space<hbm>>
        tpu.enqueue_dma source(%arg14 : memref<80x128xf32, #tpu.memory_space<vmem>>) target(%dma_start3A_137 : memref<80x128xf32, #tpu.memory_space<hbm>>) target_semaphore(%run_scoped3A : memref<!tpu.dma_semaphore, #tpu.memory_space<semaphore_mem>>)
        %dma_wait3A_138 = tpu.memref_slice %arg8[%add3A, %mul3A_135] : memref<160000x256xf32, #tpu.memory_space<hbm>> -> memref<80x128xf32, #tpu.memory_space<hbm>>
        %dma_wait3A_139 = tpu.memref_slice %arg8[%add3A, %mul3A_135] : memref<160000x256xf32, #tpu.memory_space<hbm>> -> memref<80x128xf32, #tpu.memory_space<hbm>>
        tpu.wait_dma2 semaphore(%run_scoped3A : memref<!tpu.dma_semaphore, #tpu.memory_space<semaphore_mem>>) src(%arg14 : memref<80x128xf32, #tpu.memory_space<vmem>>) dst(%dma_wait3A_139 : memref<80x128xf32, #tpu.memory_space<hbm>>)
        tpu.yield
      }) : () -> ()
      "tpu.region"() ({
        %run_scoped3A = tpu.sem_alloc : memref<!tpu.dma_semaphore, #tpu.memory_space<semaphore_mem>>
        %dma_start3A_136 = arith.constant 0 : i32
        %dma_start3A_137 = arith.constant 0 : i32
        %dma_start3A_138 = tpu.memref_slice %arg17[%dma_start3A_136, %dma_start3A_137] : memref<10000x128xf32, #tpu.memory_space<vmem_shared>> -> memref<10000x128xf32, #tpu.memory_space<vmem_shared>>
        tpu.enqueue_indirect_dma source(%arg14 : memref<80x128xf32, #tpu.memory_space<vmem>>) target(%dma_start3A_138 : memref<10000x128xf32, #tpu.memory_space<vmem_shared>>) offsets(%arg11 : memref<80xi32, #tpu.memory_space<vmem>>) semaphore(%run_scoped3A : memref<!tpu.dma_semaphore, #tpu.memory_space<semaphore_mem>>) {add = true}
        %dma_wait3A_139 = arith.constant 0 : i32
        %dma_wait3A_140 = arith.constant 0 : i32
        %dma_wait3A_141 = tpu.memref_slice %arg17[%dma_wait3A_139, %dma_wait3A_140] : memref<10000x128xf32, #tpu.memory_space<vmem_shared>> -> memref<10000x128xf32, #tpu.memory_space<vmem_shared>>
        tpu.wait_indirect_dma semaphore(%run_scoped3A : memref<!tpu.dma_semaphore, #tpu.memory_space<semaphore_mem>>) src(%arg14 : memref<80x128xf32, #tpu.memory_space<vmem>>) dst(%dma_wait3A_141 : memref<10000x128xf32, #tpu.memory_space<vmem_shared>>)
        tpu.yield
      }) : () -> ()
    }
    %scan3A_7 = arith.constant 125 : i32
    %barrier3A_8 = arith.constant 0 : index
    tpu.barrier barrier_id(%barrier3A_8)
    %lt3A_9 = arith.constant 10 : i32
    %lt3A_10 = arith.cmpi slt, %arg1, %lt3A_9 : i32
    %convert_element_type3A_11 = arith.extui %lt3A_10 : i1 to i32
    %cond3A_12 = arith.constant 0 : i32
    %cond3A_13 = arith.cmpi ne, %convert_element_type3A_11, %cond3A_12 : i32
    scf.if %cond3A_13 {
      %mul3A_14 = arith.constant 1000 : i32
      %mul3A_15 = arith.muli %arg1, %mul3A_14 : i32
      %mul3A_16 = arith.constant 1000 : i32
      %mul3A_17 = arith.muli %arg1, %mul3A_16 : i32
      %add3A = arith.addi %mul3A_0, %mul3A_17 : i32
      "tpu.region"() ({
        %run_scoped3A = tpu.sem_alloc : memref<!tpu.dma_semaphore, #tpu.memory_space<semaphore_mem>>
        %dma_start3A = arith.constant 0 : i32
        %dma_start3A_18 = tpu.memref_slice %arg9[%add3A, %dma_start3A] : memref<20000x128xf32, #tpu.memory_space<hbm>> -> memref<1000x128xf32, #tpu.memory_space<hbm>>
        %dma_start3A_19 = arith.constant 0 : i32
        %dma_start3A_20 = tpu.memref_slice %arg17[%mul3A_15, %dma_start3A_19] : memref<10000x128xf32, #tpu.memory_space<vmem_shared>> -> memref<1000x128xf32, #tpu.memory_space<vmem_shared>>
        tpu.enqueue_dma source(%dma_start3A_20 : memref<1000x128xf32, #tpu.memory_space<vmem_shared>>) target(%dma_start3A_18 : memref<1000x128xf32, #tpu.memory_space<hbm>>) target_semaphore(%run_scoped3A : memref<!tpu.dma_semaphore, #tpu.memory_space<semaphore_mem>>)
        %dma_wait3A = arith.constant 0 : i32
        %dma_wait3A_21 = tpu.memref_slice %arg9[%add3A, %dma_wait3A] : memref<20000x128xf32, #tpu.memory_space<hbm>> -> memref<1000x128xf32, #tpu.memory_space<hbm>>
        %dma_wait3A_22 = arith.constant 0 : i32
        %dma_wait3A_23 = tpu.memref_slice %arg17[%mul3A_15, %dma_wait3A_22] : memref<10000x128xf32, #tpu.memory_space<vmem_shared>> -> memref<1000x128xf32, #tpu.memory_space<vmem_shared>>
        tpu.wait_dma2 semaphore(%run_scoped3A : memref<!tpu.dma_semaphore, #tpu.memory_space<semaphore_mem>>) src(%dma_wait3A_23 : memref<1000x128xf32, #tpu.memory_space<vmem_shared>>) dst(%dma_wait3A_21 : memref<1000x128xf32, #tpu.memory_space<hbm>>)
        tpu.yield
      }) : () -> ()
    } else {
    }
    return
  }
}

module attributes {stable_mosaic.version = 14 : i64} {
  func.func @_proj_nodes_kernel(%arg0: i32, %arg1: i32, %arg2: memref<2000x256xf32, #tpu.memory_space<vmem>>, %arg3: memref<256x128xf32, #tpu.memory_space<vmem>>, %arg4: memref<256x128xf32, #tpu.memory_space<vmem>>, %arg5: memref<2000x128xf32, #tpu.memory_space<vmem>>, %arg6: memref<2000x128xf32, #tpu.memory_space<vmem>>) attributes {dimension_semantics = [#tpu.dimension_semantics<arbitrary>, #tpu.dimension_semantics<arbitrary>], iteration_bounds = array<i64: 2, 5>, scalar_prefetch = 0 : i64, scratch_operands = 0 : i64, tpu.core_type = #tpu.core_type<tc>, window_params = [{transform_indices = @transform_0, window_bounds = array<i64: 2000, 256>}, {transform_indices = @transform_1, window_bounds = array<i64: 256, 128>}, {transform_indices = @transform_2, window_bounds = array<i64: 256, 128>}, {transform_indices = @transform_3, window_bounds = array<i64: 2000, 128>}, {transform_indices = @transform_4, window_bounds = array<i64: 2000, 128>}]} {
    %get3A = arith.constant 0 : index
    %get3A_0 = arith.constant 0 : index
    %get3A_1 = vector.load %arg2[%get3A, %get3A_0] : memref<2000x256xf32, #tpu.memory_space<vmem>>, vector<2000x256xf32>
    %get3A_2 = arith.constant 0 : index
    %get3A_3 = arith.constant 0 : index
    %get3A_4 = vector.load %arg3[%get3A_2, %get3A_3] : memref<256x128xf32, #tpu.memory_space<vmem>>, vector<256x128xf32>
    %dot_general3A = arith.constant dense<0.000000e+00> : vector<2000x128xf32>
    %dot_general3A_5 = tpu.matmul %get3A_1, %get3A_4, %dot_general3A {dimension_numbers = #tpu.dot_dimension_numbers<[1], [0], [0], [1], [0, 0, 1, 1], [], []>, transpose_lhs_hint = false} : vector<2000x256xf32>, vector<256x128xf32>, vector<2000x128xf32> -> vector<2000x128xf32>
    %swap3A = arith.constant 0 : index
    %swap3A_6 = arith.constant 0 : index
    %swap3A_7 = vector.load %arg5[%swap3A, %swap3A_6] : memref<2000x128xf32, #tpu.memory_space<vmem>>, vector<2000x128xf32>
    tpu.vector_store %arg5[%swap3A, %swap3A_6], %dot_general3A_5 {strides = array<i32>} : memref<2000x128xf32, #tpu.memory_space<vmem>>, vector<2000x128xf32>,
    %get3A_8 = arith.constant 0 : index
    %get3A_9 = arith.constant 0 : index
    %get3A_10 = vector.load %arg4[%get3A_8, %get3A_9] : memref<256x128xf32, #tpu.memory_space<vmem>>, vector<256x128xf32>
    %dot_general3A_11 = arith.constant dense<0.000000e+00> : vector<2000x128xf32>
    %dot_general3A_12 = tpu.matmul %get3A_1, %get3A_10, %dot_general3A_11 {dimension_numbers = #tpu.dot_dimension_numbers<[1], [0], [0], [1], [0, 0, 1, 1], [], []>, transpose_lhs_hint = false} : vector<2000x256xf32>, vector<256x128xf32>, vector<2000x128xf32> -> vector<2000x128xf32>
    %swap3A_13 = arith.constant 0 : index
    %swap3A_14 = arith.constant 0 : index
    %swap3A_15 = vector.load %arg6[%swap3A_13, %swap3A_14] : memref<2000x128xf32, #tpu.memory_space<vmem>>, vector<2000x128xf32>
    tpu.vector_store %arg6[%swap3A_13, %swap3A_14], %dot_general3A_12 {strides = array<i32>} : memref<2000x128xf32, #tpu.memory_space<vmem>>, vector<2000x128xf32>,
    return
  }
  func.func @transform_0(%arg0: i32, %arg1: i32) -> (i32, i32) {
    %c0_i32 = arith.constant 0 : i32
    %c0_i32_0 = arith.constant 0 : i32
    return %arg1, %c0_i32 : i32, i32
  }
  func.func @transform_1(%arg0: i32, %arg1: i32) -> (i32, i32) {
    %c0_i32 = arith.constant 0 : i32
    %c0_i32_0 = arith.constant 0 : i32
    return %c0_i32, %arg0 : i32, i32
  }
  func.func @transform_2(%arg0: i32, %arg1: i32) -> (i32, i32) {
    %c0_i32 = arith.constant 0 : i32
    %c0_i32_0 = arith.constant 0 : i32
    return %c0_i32, %arg0 : i32, i32
  }
  func.func @transform_3(%arg0: i32, %arg1: i32) -> (i32, i32) {
    %mul3A = arith.constant 5 : i32
    %mul3A_0 = arith.muli %arg0, %mul3A : i32
    %add3A = arith.addi %mul3A_0, %arg1 : i32
    %c0_i32 = arith.constant 0 : i32
    %c0_i32_1 = arith.constant 0 : i32
    return %add3A, %c0_i32 : i32, i32
  }
  func.func @transform_4(%arg0: i32, %arg1: i32) -> (i32, i32) {
    %mul3A = arith.constant 5 : i32
    %mul3A_0 = arith.muli %arg0, %mul3A : i32
    %add3A = arith.addi %mul3A_0, %arg1 : i32
    %c0_i32 = arith.constant 0 : i32
    %c0_i32_1 = arith.constant 0 : i32
    return %add3A, %c0_i32 : i32, i32
  }
}

module attributes {stable_mosaic.version = 14 : i64} {
  func.func @_proj_edges_kernel(%arg0: i32, %arg1: i32, %arg2: memref<8000x16xf32, #tpu.memory_space<vmem>>, %arg3: memref<16x128xf32, #tpu.memory_space<vmem>>, %arg4: memref<128xf32, #tpu.memory_space<vmem>>, %arg5: memref<8000x128xf32, #tpu.memory_space<vmem>>) attributes {dimension_semantics = [#tpu.dimension_semantics<arbitrary>, #tpu.dimension_semantics<arbitrary>], iteration_bounds = array<i64: 2, 20>, scalar_prefetch = 0 : i64, scratch_operands = 0 : i64, tpu.core_type = #tpu.core_type<tc>, window_params = [{transform_indices = @transform_0, window_bounds = array<i64: 8000, 16>}, {transform_indices = @transform_1, window_bounds = array<i64: 16, 128>}, {transform_indices = @transform_2, window_bounds = array<i64: 128>}, {transform_indices = @transform_3, window_bounds = array<i64: 8000, 128>}]} {
    %get3A = arith.constant 0 : index
    %get3A_0 = arith.constant 0 : index
    %get3A_1 = vector.load %arg2[%get3A, %get3A_0] : memref<8000x16xf32, #tpu.memory_space<vmem>>, vector<8000x16xf32>
    %get3A_2 = arith.constant 0 : index
    %get3A_3 = arith.constant 0 : index
    %get3A_4 = vector.load %arg3[%get3A_2, %get3A_3] : memref<16x128xf32, #tpu.memory_space<vmem>>, vector<16x128xf32>
    %dot_general3A = arith.constant dense<0.000000e+00> : vector<8000x128xf32>
    %dot_general3A_5 = tpu.matmul %get3A_1, %get3A_4, %dot_general3A {dimension_numbers = #tpu.dot_dimension_numbers<[1], [0], [0], [1], [0, 0, 1, 1], [], []>, transpose_lhs_hint = false} : vector<8000x16xf32>, vector<16x128xf32>, vector<8000x128xf32> -> vector<8000x128xf32>
    %get3A_6 = arith.constant 0 : index
    %get3A_7 = vector.load %arg4[%get3A_6] : memref<128xf32, #tpu.memory_space<vmem>>, vector<128xf32>
    %broadcast_in_dim3A = vector.shape_cast %get3A_7 : vector<128xf32> to vector<1x128xf32>
    %add3A = vector.broadcast %broadcast_in_dim3A : vector<1x128xf32> to vector<8000x128xf32>
    %add3A_8 = arith.addf %dot_general3A_5, %add3A : vector<8000x128xf32>
    %swap3A = arith.constant 0 : index
    %swap3A_9 = arith.constant 0 : index
    %swap3A_10 = vector.load %arg5[%swap3A, %swap3A_9] : memref<8000x128xf32, #tpu.memory_space<vmem>>, vector<8000x128xf32>
    tpu.vector_store %arg5[%swap3A, %swap3A_9], %add3A_8 {strides = array<i32>} : memref<8000x128xf32, #tpu.memory_space<vmem>>, vector<8000x128xf32>,
    return
  }
  func.func @transform_0(%arg0: i32, %arg1: i32) -> (i32, i32) {
    %c0_i32 = arith.constant 0 : i32
    %c0_i32_0 = arith.constant 0 : i32
    return %arg1, %c0_i32 : i32, i32
  }
  func.func @transform_1(%arg0: i32, %arg1: i32) -> (i32, i32) {
    %c0_i32 = arith.constant 0 : i32
    %c0_i32_0 = arith.constant 0 : i32
    return %c0_i32, %arg0 : i32, i32
  }
  func.func @transform_2(%arg0: i32, %arg1: i32) -> i32 {
    %c0_i32 = arith.constant 0 : i32
    return %arg0 : i32
  }
  func.func @transform_3(%arg0: i32, %arg1: i32) -> (i32, i32) {
    %mul3A = arith.constant 20 : i32
    %mul3A_0 = arith.muli %arg0, %mul3A : i32
    %add3A = arith.addi %mul3A_0, %arg1 : i32
    %c0_i32 = arith.constant 0 : i32
    %c0_i32_1 = arith.constant 0 : i32
    return %add3A, %c0_i32 : i32, i32
  }
}

module attributes {stable_mosaic.version = 14 : i64} {
  func.func @_node_update_kernel(%arg0: i32, %arg1: memref<2000x256xf32, #tpu.memory_space<vmem>>, %arg2: memref<2000x128xf32, #tpu.memory_space<vmem>>, %arg3: memref<2000x128xf32, #tpu.memory_space<vmem>>, %arg4: memref<512x256xf32, #tpu.memory_space<vmem>>, %arg5: memref<256xf32, #tpu.memory_space<vmem>>, %arg6: memref<2000x256xf32, #tpu.memory_space<vmem>>) attributes {dimension_semantics = [#tpu.dimension_semantics<arbitrary>], iteration_bounds = array<i64: 5>, scalar_prefetch = 0 : i64, scratch_operands = 0 : i64, tpu.core_type = #tpu.core_type<tc>, window_params = [{transform_indices = @transform_0, window_bounds = array<i64: 2000, 256>}, {transform_indices = @transform_1, window_bounds = array<i64: 2000, 128>}, {transform_indices = @transform_2, window_bounds = array<i64: 2000, 128>}, {pipeline_mode = #tpu.pipeline_mode<synchronous>, transform_indices = @transform_3, window_bounds = array<i64: 512, 256>}, {pipeline_mode = #tpu.pipeline_mode<synchronous>, transform_indices = @transform_4, window_bounds = array<i64: 256>}, {transform_indices = @transform_5, window_bounds = array<i64: 2000, 256>}]} {
    %get3A = arith.constant 0 : index
    %get3A_0 = arith.constant 0 : index
    %get3A_1 = vector.load %arg1[%get3A, %get3A_0] : memref<2000x256xf32, #tpu.memory_space<vmem>>, vector<2000x256xf32>
    %get3A_2 = arith.constant 0 : index
    %get3A_3 = arith.constant 0 : index
    %get3A_4 = vector.load %arg4[%get3A_2, %get3A_3] : memref<512x256xf32, #tpu.memory_space<vmem>>, vector<512x256xf32>
    %slice3A = vector.extract_strided_slice %get3A_4 {offsets = [0, 0], sizes = [256, 256], strides = [1, 1]} : vector<512x256xf32> to vector<256x256xf32>
    %dot_general3A = arith.constant dense<0.000000e+00> : vector<2000x256xf32>
    %dot_general3A_5 = tpu.matmul %get3A_1, %slice3A, %dot_general3A {dimension_numbers = #tpu.dot_dimension_numbers<[1], [0], [0], [1], [0, 0, 1, 1], [], []>, transpose_lhs_hint = false} : vector<2000x256xf32>, vector<256x256xf32>, vector<2000x256xf32> -> vector<2000x256xf32>
    %get3A_6 = arith.constant 0 : index
    %get3A_7 = arith.constant 0 : index
    %get3A_8 = vector.load %arg2[%get3A_6, %get3A_7] : memref<2000x128xf32, #tpu.memory_space<vmem>>, vector<2000x128xf32>
    %slice3A_9 = vector.extract_strided_slice %get3A_4 {offsets = [256, 0], sizes = [128, 256], strides = [1, 1]} : vector<512x256xf32> to vector<128x256xf32>
    %dot_general3A_10 = arith.constant dense<0.000000e+00> : vector<2000x256xf32>
    %dot_general3A_11 = tpu.matmul %get3A_8, %slice3A_9, %dot_general3A_10 {dimension_numbers = #tpu.dot_dimension_numbers<[1], [0], [0], [1], [0, 0, 1, 1], [], []>, transpose_lhs_hint = false} : vector<2000x128xf32>, vector<128x256xf32>, vector<2000x256xf32> -> vector<2000x256xf32>
    %add3A = arith.addf %dot_general3A_5, %dot_general3A_11 : vector<2000x256xf32>
    %get3A_12 = arith.constant 0 : index
    %get3A_13 = arith.constant 0 : index
    %get3A_14 = vector.load %arg3[%get3A_12, %get3A_13] : memref<2000x128xf32, #tpu.memory_space<vmem>>, vector<2000x128xf32>
    %slice3A_15 = vector.extract_strided_slice %get3A_4 {offsets = [384, 0], sizes = [128, 256], strides = [1, 1]} : vector<512x256xf32> to vector<128x256xf32>
    %dot_general3A_16 = arith.constant dense<0.000000e+00> : vector<2000x256xf32>
    %dot_general3A_17 = tpu.matmul %get3A_14, %slice3A_15, %dot_general3A_16 {dimension_numbers = #tpu.dot_dimension_numbers<[1], [0], [0], [1], [0, 0, 1, 1], [], []>, transpose_lhs_hint = false} : vector<2000x128xf32>, vector<128x256xf32>, vector<2000x256xf32> -> vector<2000x256xf32>
    %add3A_18 = arith.addf %add3A, %dot_general3A_17 : vector<2000x256xf32>
    %get3A_19 = arith.constant 0 : index
    %get3A_20 = vector.load %arg5[%get3A_19] : memref<256xf32, #tpu.memory_space<vmem>>, vector<256xf32>
    %broadcast_in_dim3A = vector.shape_cast %get3A_20 : vector<256xf32> to vector<1x256xf32>
    %add3A_21 = vector.broadcast %broadcast_in_dim3A : vector<1x256xf32> to vector<2000x256xf32>
    %add3A_22 = arith.addf %add3A_18, %add3A_21 : vector<2000x256xf32>
    %max3A = arith.constant 0.000000e+00 : f32
    %max3A_23 = vector.broadcast %max3A : f32 to vector<2000x256xf32>
    %max3A_24 = arith.maximumf %add3A_22, %max3A_23 : vector<2000x256xf32>
    %swap3A = arith.constant 0 : index
    %swap3A_25 = arith.constant 0 : index
    %swap3A_26 = vector.load %arg6[%swap3A, %swap3A_25] : memref<2000x256xf32, #tpu.memory_space<vmem>>, vector<2000x256xf32>
    tpu.vector_store %arg6[%swap3A, %swap3A_25], %max3A_24 {strides = array<i32>} : memref<2000x256xf32, #tpu.memory_space<vmem>>, vector<2000x256xf32>,
    return
  }
  func.func @transform_0(%arg0: i32) -> (i32, i32) {
    %c0_i32 = arith.constant 0 : i32
    %c0_i32_0 = arith.constant 0 : i32
    return %arg0, %c0_i32 : i32, i32
  }
  func.func @transform_1(%arg0: i32) -> (i32, i32) {
    %c0_i32 = arith.constant 0 : i32
    %c0_i32_0 = arith.constant 0 : i32
    return %arg0, %c0_i32 : i32, i32
  }
  func.func @transform_2(%arg0: i32) -> (i32, i32) {
    %add3A = arith.constant 5 : i32
    %add3A_0 = arith.addi %add3A, %arg0 : i32
    %c0_i32 = arith.constant 0 : i32
    %c0_i32_1 = arith.constant 0 : i32
    return %add3A_0, %c0_i32 : i32, i32
  }
  func.func @transform_3(%arg0: i32) -> (i32, i32) {
    %c0_i32 = arith.constant 0 : i32
    %c0_i32_0 = arith.constant 0 : i32
    %c0_i32_1 = arith.constant 0 : i32
    return %c0_i32, %c0_i32_0 : i32, i32
  }
  func.func @transform_4(%arg0: i32) -> i32 {
    %c0_i32 = arith.constant 0 : i32
    %c0_i32_0 = arith.constant 0 : i32
    return %c0_i32 : i32
  }
  func.func @transform_5(%arg0: i32) -> (i32, i32) {
    %c0_i32 = arith.constant 0 : i32
    %c0_i32_0 = arith.constant 0 : i32
    return %arg0, %c0_i32 : i32, i32
  }
}

</mosaic_0001>

<sc_bundles>
// kernel: kernel.6.cloned.1.call-start
scs
__scs_entry_jumppad:
0x0: {  	(pc) =	sbr.rel $0x88, $3  }
0x1: {  	(tag) =	ssettag $0x0;
	lr =	simm.s32 $0x1  }
0x2: {  	[smem:$0x3F9A] =	sst lr;
	_ =	strace $0xD0000000  }
0x3: {  	_ = 	snop  }
0x4: {  	_ = 	snop  }
0x5: {  	_ = 	snop  }
0x6: {  	_ = 	snop  }
0x7: {  	_ = 	snop  }
__scs_overlays_trampoline_lowered:
0x8: {  	[smem:$0x3FA9] =	sst s0  }
0x9: {  	[smem:$0x3FAA] =	sst s1  }
0xa: {  	[smem:$0x3FAB] =	sst s2  }
0xb: {  	[smem:$0x3FAC] =	sst s3  }
0xc: {  	[smem:$0x3FAD] =	sst s4  }
0xd: {  	[smem:$0x3FAE] =	sst s5  }
0xe: {  	[smem:$0x3FAF] =	sst s6  }
0xf: {  	[smem:$0x3FB0] =	sst s7  }
0x10: {  	[smem:$0x3FB1] =	sst s8  }
0x11: {  	[smem:$0x3FB2] =	sst s9;
	s0 =	simm.s32 @!p0 $0x0  }
0x12: {  	s1 =	sld [smem:$0x3F98];
	s0 =	simm.s32 @p0 $0x1  }
0x13: {  	[smem:$0x3FB3] =	sst s0;
	s0 =	simm.s32 @!p1 $0x0  }
0x14: {  	s2 =	sld [smem:$0x3F97];
	s0 =	simm.s32 @p1 $0x1  }
0x15: {  	[smem:$0x3FB4] =	sst s0;
	s0 =	simm.s32 @!p2 $0x0  }
0x16: {  	s3 =	sld [smem:$0x3FDB];
	s0 =	simm.s32 @p2 $0x1  }
0x17: {  	s4 =	simm.s32 $0x1BF5;
	[smem:$0x3FB6] =	sst s0  }
0x18: {  	s0 =	sld [smem:$0x3F99];
	_ =	swait.ge [sflag:s4], $0x0  }
0x19: {  	s7 =	sld [smem:$0x3F9A]  }
0x1a: {  	s8 =	sadd.s32 $0xFFFFE003, lr  }
0x1b: {  	s9 =	sadd.s32 $0xFFFFFEF7, lr;
	s5 =	simm.s32 $0xFFFFFFFF;
	p2 =	slt.u32 s8, $0xFFFFF086  }
0x1c: {  	p1 =	slt.u32 s9, $0xF7A;
	s5 =	simm.s32 @!p2 $0x0  }
0x1d: {  	s5 =	simm.s32 @p1 $0x1;
	p0 =	seq.s32 s7, s2  }
0x1e: {  	s7 =	smul.u32 @!p0 $0xF7A, s2;
	p2 =	seq.s32 @!p0 s5, $0x0  }
0x1f: {  	s9 =	smul.u32 $0xF7A, s1;
	s8 =	simm.s32 @!p0 $0x1BF5;
	p2 =	por !p2, p0  }
0x20: {  	[sflag:s8] =	ssyncset.s32 @!p0 $0xFFFFF086;
	s6 =	sadd.s32 @!p0 s3, s7;
	s7 =	simm.s32 @!p0 $0x108  }
0x21: {  	s3 =	sadd.s32 s3, s9;
	s6 =	sadd.s32 @!p0 $0x88, s6;
	s7 =	simm.s32 @p2 $0x1082  }
0x22: {  	[simem:s7], [sflag:s8] =	dma.local @!p0 [hbm:s6], $0xF7A  }
0x23: {  	s9 =	sor.u32 $0xD0000000, s2;
	s6 =	simm.s32 $0x108;
	_ =	swait.ge @!p0 [sflag:s8], $0x0  }
0x24: {  	s3 =	sadd.s32 $0x88, s3;
	s6 =	simm.s32 @!p1 $0x1082;
	[sflag:s4] =	ssyncset.s32 $0xFFFFF086  }
0x25: {  	[simem:s6], [sflag:s4] =	dma.local [hbm:s3], $0xF7A  }
0x26: {  	[smem:$0x3F9A] =	sst s1;
	(tag) =	ssettag s2;
	_ =	strace s9  }
0x27: {  	s1 =	sld [smem:$0x3FAA]  }
0x28: {  	s2 =	sld [smem:$0x3FAB]  }
0x29: {  	s4 =	sld [smem:$0x3FAD]  }
0x2a: {  	p0 =	seq.s32 s5, $0x0;
	s5 =	sld [smem:$0x3FAE]  }
0x2b: {  	s6 =	sld [smem:$0x3FAF]  }
0x2c: {  	s7 =	sld [smem:$0x3FB0]  }
0x2d: {  	s3 =	simm.s32 $0x108;
	s8 =	sld [smem:$0x3FB1]  }
0x2e: {  	s3 =	simm.s32 @!p0 $0x1082;
	s9 =	sld [smem:$0x3FB2]  }
0x2f: {  	lr =	sadd.s32 s0, s3;
	s0 =	sld [smem:$0x3FA9]  }
0x30: {  	s3 =	sld [smem:$0x3FAC]  }
0x31: {  	[smem:$0x3FB5] =	sst s10  }
0x32: {  	s10 =	sld [smem:$0x3FB3];
	_ =	sdelay $0x3  }
0x33: {  	p0 =	seq.s32 s10, $0x1;
	s10 =	sld [smem:$0x3FB5];
	_ =	sdelay $0x3  }
0x34: {  	[smem:$0x3FB5] =	sst s10  }
0x35: {  	s10 =	sld [smem:$0x3FB4];
	_ =	sdelay $0x3  }
0x36: {  	p1 =	seq.s32 s10, $0x1;
	s10 =	sld [smem:$0x3FB5];
	_ =	sdelay $0x3  }
0x37: {  	[smem:$0x3FB5] =	sst s10  }
0x38: {  	s10 =	sld [smem:$0x3FB6]  }
0x39: {  	_ = 	snop;
	(pc) =	sbr.ind lr, $3  }
0x3a: {  	_ = 	snop  }
0x3b: {  	_ = 	snop  }
0x3c: {  	p2 =	seq.s32 s10, $0x1;
	s10 =	sld [smem:$0x3FB5]  }
0x3d: {  	_ =	shalt  }
0x3e: {  	_ =	shalt  }
0x3f: {  	_ =	shalt  }
0x40: {  	_ =	shalt  }
0x41: {  	_ =	shalt  }
0x42: {  	_ =	shalt  }
0x43: {  	_ =	shalt  }
0x44: {  	_ =	shalt  }
0x45: {  	_ =	shalt  }
0x46: {  	_ =	shalt  }
0x47: {  	_ =	shalt  }
0x48: {  	_ =	shalt  }
0x49: {  	_ =	shalt  }
0x4a: {  	_ =	shalt  }
0x4b: {  	_ =	shalt  }
0x4c: {  	_ =	shalt  }
0x4d: {  	_ =	shalt  }
0x4e: {  	_ =	shalt  }
0x4f: {  	_ =	shalt  }
0x50: {  	_ =	shalt  }
0x51: {  	_ =	shalt  }
0x52: {  	_ =	shalt  }
0x53: {  	_ =	shalt  }
0x54: {  	_ =	shalt  }
0x55: {  	_ =	shalt  }
0x56: {  	_ =	shalt  }
0x57: {  	_ =	shalt  }
0x58: {  	_ =	shalt  }
0x59: {  	_ =	shalt  }
0x5a: {  	_ =	shalt  }
0x5b: {  	_ =	shalt  }
0x5c: {  	_ =	shalt  }
0x5d: {  	_ =	shalt  }
0x5e: {  	_ =	shalt  }
0x5f: {  	_ =	shalt  }
0x60: {  	_ =	shalt  }
0x61: {  	_ =	shalt  }
0x62: {  	_ =	shalt  }
0x63: {  	_ =	shalt  }
0x64: {  	_ =	shalt  }
0x65: {  	_ =	shalt  }
0x66: {  	_ =	shalt  }
0x67: {  	_ =	shalt  }
0x68: {  	_ =	shalt  }
0x69: {  	_ =	shalt  }
0x6a: {  	_ =	shalt  }
0x6b: {  	_ =	shalt  }
0x6c: {  	_ =	shalt  }
0x6d: {  	_ =	shalt  }
0x6e: {  	_ =	shalt  }
0x6f: {  	_ =	shalt  }
0x70: {  	_ =	shalt  }
0x71: {  	_ =	shalt  }
0x72: {  	_ =	shalt  }
0x73: {  	_ =	shalt  }
0x74: {  	_ =	shalt  }
0x75: {  	_ =	shalt  }
0x76: {  	_ =	shalt  }
0x77: {  	_ =	shalt  }
0x78: {  	_ =	shalt  }
0x79: {  	_ =	shalt  }
0x7a: {  	_ =	shalt  }
0x7b: {  	_ =	shalt  }
0x7c: {  	_ =	shalt  }
0x7d: {  	_ =	shalt  }
0x7e: {  	_ =	shalt  }
0x7f: {  	_ =	shalt  }
0x80: {  	_ =	shalt  }
0x81: {  	_ =	shalt  }
0x82: {  	_ =	shalt  }
0x83: {  	_ =	shalt  }
0x84: {  	_ =	shalt  }
0x85: {  	_ =	shalt  }
0x86: {  	_ =	shalt  }
0x87: {  	_ =	shalt  }
.Lfunc_end0:
.L_simem_size_0:
called_computation_lowered:
.L_overlay_start_0:
0x88: {  	s2 =	sld [smem:$0x3FD9]  }
0x89: {  	s3 =	sld [smem:$0x3FFE];
	_ =	sdelay $0x1  }
0x8a: {  	s1 =	srdreg.scid  }
0x8b: {  	s0 =	sand.u32 $0x1, s1  }
0x8c: {  	s14 =	sshll.u32 s0, $0xA;
	s2 =	sadd.s32 s3, s2  }
0x8d: {  	s2 =	sadd.s32 s2, s14  }
0x8e: {  	[smem:$0x3FC1] =	sst s2  }
0x8f: {  	_ = 	snop  }
0x90: {  	s2 =	sld [smem:$0x3FD0];
	_ =	sdelay $0x2  }
0x91: {  	s15 =	simm.s32 $0xA;
	s4 =	simm.s32 $0x10  }
0x92: {  	[smem:s4], [sflag:s15] =	dma.local [hbm:s2], $0x1  }
0x93: {  	_ =	swait.eq [sflag:s15], $0x1  }
0x94: {  	[sflag:s15] =	ssyncset.done $0x0  }
0x95: {  	s16 =	sld [smem:$0x10];
	[sflag:s15] =	ssyncadd.s32 $0xFFFFFFFF  }
0x96: {  	s17 =	sld [smem:$0x11];
	(tm) =	ssettm $0x1  }
0x97: {  	s18 =	sld [smem:$0x3FFB];
	_ =	sdelay $0x3  }
0x98: {  	_ =	strace s18  }
0x99: {  	s4 =	sld [smem:$0x3FFC];
	_ =	sdelay $0x3  }
0x9a: {  	_ =	strace s4  }
0x9b: {  	s4 =	sld [smem:$0x3FFD];
	_ =	sdelay $0x3  }
0x9c: {  	_ =	strace s4  }
0x9d: {  	_ =	strace $0x8FFFFFFF  }
0x9e: {  	s19 =	sld [smem:$0x3FDB];
	_ =	sdelay $0x1  }
0x9f: {  	s5 =	simm.s32 $_scs_section_size  }
0xa0: {  	s6 =	simm.s32 $_size__tile_overlayer_lowered;
	s7 =	simm.s32 $_tile_overlayer_lowered  }
0xa1: {  	s22 =	simm.s32 $0x1BFF;
	s21 =	sshll.u32 s7, $0x1;
	s4 =	sadd.s32 s5, s19  }
0xa2: {  	s8 =	simm.s32 $0x0;
	s20 =	sshll.u32 s6, $0x1;
	s6 =	sadd.s32 s21, s4  }
0xa3: {  	[timem:s8], [sflag:s22] =	dma.local [hbm:s6], s20  }
0xa4: {  	_ =	swait.ge [sflag:s22], s20  }
0xa5: {  	s5 =	ssub.s32 $0x0, s20;
	[sflag:s22] =	ssyncset.done $0x0  }
0xa6: {  	[sflag:s22] =	ssyncadd.s32 s5;
	_ =	sdelay $0x1  }
0xa7: {  	s23 =	simm.s32 $0x1B8B  }
0xa8: {  	_ =	swait.ge [sflag:s23], $0x1  }
0xa9: {  	[sflag:s23] =	ssyncset.done $0x0  }
0xaa: {  	s25 =	simm.s32 $0x1B8E;
	s24 =	sld [smem:$0x3FFE];
	[sflag:s23] =	ssyncadd.s32 $0xFFFFFFFF  }
0xab: {  	s26 =	simm.s32 $execute0_lowered;
	[smem:$0x3FD2] =	sst s25  }
0xac: {  	s6 =	sshll.u32 s26, $0x1;
	_ =	strace $0x80000046;
	[dreg:$0x1] =	wrdreg $0xFFFFFFFF  }
0xad: {  	s28 =	simm.s32 $_size_execute0_lowered;
	s4 =	sadd.s32 s4, s6;
	[dreg:$0x0] =	wrdreg $0x0  }
0xae: {  	s6 =	sshll.u32 s28, $0x1;
	[dreg:$0x2] =	wrdreg s4  }
0xaf: {  	[dreg:$0x3] =	wrdreg s6  }
0xb0: {  	[dreg:$0x4] =	wrdreg $0xC0  }
0xb1: {  	_ =	task [dreg:s8], $0x5FFFF  }
0xb2: {  	[dreg:$0x1] =	wrdreg $0xFFFFFFFF  }
0xb3: {  	[dreg:$0x0] =	wrdreg $0x60  }
0xb4: {  	[dreg:$0x2] =	wrdreg s16  }
0xb5: {  	[dreg:$0x3] =	wrdreg s24  }
0xb6: {  	[dreg:$0x4] =	wrdreg s17  }
0xb7: {  	[dreg:$0x5] =	wrdreg $0x7A000  }
0xb8: {  	[dreg:$0x6] =	wrdreg $0x9  }
0xb9: {  	_ =	task.clear_ibuf [dreg:s8], $0x7FFFF;
	_ =	strace $0x90000046  }
0xba: {  	s29 =	simm.s32 $0x9;
	_ =	strace $0x80000048  }
0xbb: {  	_ =	swait.ge [sflag:s29], $0x1  }
0xbc: {  	[sflag:s29] =	ssyncadd.s32 $0xFFFFFFFF  }
0xbd: {  	_ =	strace $0x90000048  }
0xbe: {  	_ =	sfence  }
0xbf: {  	s30 =	sld [smem:$0x0];
	_ =	sdelay $0x2  }
0xc0: {  	s31 =	sshll.u32 s1, $0xD;
	s1 =	sshrl.u32 s1, $0x2  }
0xc1: {  	s3 =	sand.u32 $0x4000, s31;
	s1 =	sadd.s32 s1, s30  }
0xc2: {  	s0 =	sor.u32 s3, s0;
	s1 =	sshll.u32 s1, $0x11  }
0xc3: {  	s0 =	sor.u32 s1, s0  }
0xc4: {  	s0 =	sadd.s32 $0x8F2B, s0  }
0xc5: {  	[sflag:s0] =	ssyncadd.remote.s32 $0x1  }
0xc6: {  	_ =	sfence.sel $0xFFFF  }
0xc7: {  	[dreg:$0x0] =	wrdreg $0xFFFFFFFF;
	(pc) =	sbr.abs _section_cstart, $3  }
0xc8: {  	[dreg:$0x1] =	wrdreg $0xFFFFFFFF  }
0xc9: {  	_ =	task.clear_ibuf [dreg:s8], $0x2FFFF;
	_ =	strace $0x9FFFFFFF  }
0xca: {  	(tm) =	ssettm $0x7FFFFFFF  }
0xcb: {  	_ =	shalt  }
tec
execute0_lowered:
.L_overlay_start_1:
0x0: {  	(tag) =	ssettag $0x1  }
0x1: {  	s1 =	rddreg [dreg:$0x0]  }
0x2: {  	s0 =	rddreg [dreg:$0x1]  }
0x3: {  	s12 =	rddreg [dreg:$0x2]  }
0x4: {  	s2 =	rddreg [dreg:$0x3]  }
0x5: {  	s4 =	simm.s32 $0x0;
	s3 =	srdreg.scid;
	s17 =	simm.s32 $0x2  }
0x6: {  	s18 =	simm.s32 $0x80;
	s19 =	simm.s32 $0x50;
	s20 =	simm.s32 $0x100  }
0x7: {  	s21 =	simm.s32 $0x200;
	s22 =	simm.s32 $0x180;
	s23 =	simm.s32 $0x2A00  }
0x8: {  	s24 =	simm.s32 $0x5200;
	s26 =	simm.s32 $0x400;
	s11 =	sand.u32 $0x1, s3  }
0x9: {  	s28 =	simm.s32 $0x800;
	s3 =	stileid.u32;
	s25 =	smul.u32 $0x2710, s11  }
0xa: {  	[smem:$0x7FF] =	sst s4;
	s5 =	sadd.s32 $0xB200, s0;
	s9 =	smul.u32 $0x3E8, s3  }
0xb: {  	s6 =	sadd.s32 $0x59400, s0;
	s7 =	sadd.s32 $0x6200, s0;
	s10 =	smul.u32 $0x3E80, s3  }
0xc: {  	s8 =	sadd.s32 $0x1200, s0;
	_ =	strace $0x80000047;
	s13 =	smul.u32 $0x7D000, s3  }
0xd: {  	s14 =	ssub.s32 $0x2, s11;
	s31 =	sshll.u32 s11, $0x7;
	p0 =	sgt.u32 s3, $0x9  }
0xe: {  	s11 =	smul.u32 $0x27100, s11;
	s30 =	sshrl.u32 s14, $0x1;
	s12 =	sadd.s32 s12, s31  }
0xf: {  	s15 =	sshll.u32 @!p0 s3, $0x6;
	s9 =	sadd.s32 s9, s25;
	s10 =	sadd.s32 s10, s0  }
0x10: {  	s13 =	sshrl.u32 s13, $0x2;
	s14 =	ssub.s32 s14, s30;
	s15 =	sor.u32 @!p0 $0x1C02, s15  }
0x11: {  	v0 =	vmov s25;
	s25 =	simm.s32 $0x1;
	s9 =	sshll.u32 s9, $0x4;
	s16 =	sadd.s32 s13, s2  }
0x12: {  	s14 =	smax.u32 s14, $0x1;
	s0 =	sadd.s32 s9, s0;
	s9 =	sadd.s32 $0x53B400, s10  }
0x13: {  	s10 =	smul.u32 $0x2710, s3;
	s16 =	sshrl.u32 @!p0 s16, $0x3;
	s13 =	sadd.s32 $0x589600, s0  }
.LBB2_1:
0x14: {  	[spmem:s16], [sflag:s15] =	dma.local @!p0 [hbm:s9], $0x3E80  }
0x15: {  	s0 =	simm.s32 @!p0 $0x2  }
0x16: {  	_ =	swait.ge @!p0 [sflag:s0], $0x3E80  }
0x17: {  	[sflag:s0] =	ssyncset.done @!p0 $0x0  }
0x18: {  	[sflag:s0] =	ssyncadd.s32 @!p0 $0xFFFFC180  }
0x19: {  	s29 =	simm.s32 $0x0;
	[bflag:$0x0] =	sbarrier.arrive $0xFFFF  }
.LBB2_2:
0x1a: {  	s0 =	smul.u32 $0x50, s29;
	_ =	sdelay $0x1  }
0x1b: {  	s30 =	sadd.s32 s10, s0  }
0x1c: {  	s0 =	sshrl.u32 s30, $0x3  }
0x1d: {  	s3 =	simm.s32 $0x0;
	s31 =	sadd.s32 s7, s0  }
0x1e: {  	[tilespmem:s3], [sflag:$0x2] =	stream.linear.gather [hbm4b:s31+s3], $0x50, $0x38;
	[tilespmem:$0x1B280] =	vst v63  }
0x1f: {  	_ =	swait.ge [sflag:s17], $0x50  }
0x20: {  	[sflag:s17] =	ssyncset.done $0x0  }
0x21: {  	s0 =	sadd.s32 s8, s0;
	[sflag:s17] =	ssyncadd.s32 $0xFFFFFFB0  }
0x22: {  	[tilespmem:s18], [sflag:$0x2] =	stream.linear.gather [hbm4b:s0+s3], $0x50, $0x38;
	[tilespmem:$0x1B280] =	vst v63  }
0x23: {  	_ =	swait.ge [sflag:s17], $0x50  }
0x24: {  	[sflag:s17] =	ssyncset.done $0x0  }
0x25: {  	[sflag:s17] =	ssyncadd.s32 $0xFFFFFFB0  }
0x26: {  	v1 =	vld [tilespmem:$0x0]  }
0x27: {  	v2 =	vld [tilespmem:$0x80]  }
0x28: {  	v3 =	vld [tilespmem:$0x10]  }
0x29: {  	v4 =	vld [tilespmem:$0x90]  }
0x2a: {  	v5 =	vld [tilespmem:$0x20]  }
0x2b: {  	v6 =	vld [tilespmem:$0xA0];
	v1 =	vadd.s32 v0, v1  }
0x2c: {  	[tilespmem:$0x100] =	vst v1;
	v1 =	vadd.s32 v0, v2;
	v2 =	vld [tilespmem:$0x30]  }
0x2d: {  	[tilespmem:$0x180] =	vst v1;
	v1 =	vadd.s32 v0, v3;
	v3 =	vld [tilespmem:$0xB0]  }
0x2e: {  	[tilespmem:$0x110] =	vst v1;
	v1 =	vadd.s32 v0, v4;
	v4 =	vld [tilespmem:$0x40]  }
0x2f: {  	[tilespmem:$0x190] =	vst v1;
	v1 =	vadd.s32 v0, v5;
	v5 =	vld [tilespmem:$0xC0]  }
0x30: {  	[tilespmem:$0x120] =	vst v1;
	v1 =	vadd.s32 v0, v6  }
0x31: {  	[tilespmem:$0x1A0] =	vst v1;
	v1 =	vadd.s32 v0, v2  }
0x32: {  	[tilespmem:$0x130] =	vst v1;
	v1 =	vadd.s32 v0, v3  }
0x33: {  	[tilespmem:$0x1B0] =	vst v1;
	v1 =	vadd.s32 v0, v4  }
0x34: {  	[tilespmem:$0x140] =	vst v1;
	v1 =	vadd.s32 v0, v5  }
0x35: {  	s0 =	sadd.s32 s11, s30;
	[tilespmem:$0x1C0] =	vst v1  }
0x36: {  	[tilespmem:s21], [sflag:$0x1] =	stream.indirect.gather [hbm4b:s1+s19], $0x80, s20, s19, $0xb8;
	[tilespmem:$0x1B280] =	vst v63  }
0x37: {  	s0 =	sshll.u32 s0, $0x4  }
0x38: {  	[tilespmem:s23], [sflag:$0x1] =	stream.indirect.gather [hbm4b:s5+s19], $0x80, s22, s19, $0xb8;
	[tilespmem:$0x1B280] =	vst v63  }
0x39: {  	s0 =	sadd.s32 s6, s0  }
0x3a: {  	[tilespmem:s24], [sflag:$0x1] =	stream.linear.gather [hbm4b:s0+s3], $0x2800, $0x38;
	[tilespmem:$0x1B280] =	vst v63  }
0x3b: {  	_ =	swait.ge [sflag:s25], $0x2800  }
0x3c: {  	[sflag:s25] =	ssyncset.done $0x0  }
0x3d: {  	[sflag:s25] =	ssyncadd.s32 $0xFFFFD800  }
0x3e: {  	_ =	swait.ge [sflag:s25], $0x2800  }
0x3f: {  	[sflag:s25] =	ssyncset.done $0x0  }
0x40: {  	[sflag:s25] =	ssyncadd.s32 $0xFFFFD800  }
0x41: {  	_ =	swait.ge [sflag:s25], $0x2800  }
0x42: {  	[sflag:s25] =	ssyncset.done $0x0  }
0x43: {  	s31 =	simm.s32 $0x0;
	[sflag:s25] =	ssyncadd.s32 $0xFFFFD800  }
0x44: {  	v5 =	vld [tilespmem:s31+$0x5200]  }
0x45: {  	v6 =	vld [tilespmem:s31+$0x5210]  }
0x46: {  	v4 =	vld [tilespmem:s31+$0x5220]  }
0x47: {  	v3 =	vld [tilespmem:s31+$0x5230]  }
0x48: {  	v2 =	vld [tilespmem:s31+$0x5240]  }
0x49: {  	v1 =	vld [tilespmem:s31+$0x5250]  }
0x4a: {  	v13 =	vld [tilespmem:s31+$0x2A00]  }
0x4b: {  	v18 =	vld [tilespmem:s31+$0x2A10]  }
0x4c: {  	v12 =	vld [tilespmem:s31+$0x2A20]  }
0x4d: {  	v11 =	vld [tilespmem:s31+$0x2A30]  }
0x4e: {  	v10 =	vld [tilespmem:s31+$0x2A40]  }
0x4f: {  	v9 =	vld [tilespmem:s31+$0x2A50]  }
0x50: {  	v8 =	vld [tilespmem:s31+$0x2A60]  }
0x51: {  	v7 =	vld [tilespmem:s31+$0x2A70]  }
0x52: {  	v19 =	vld [tilespmem:s31+$0x200]  }
0x53: {  	v20 =	vld [tilespmem:s31+$0x210]  }
0x54: {  	v17 =	vld [tilespmem:s31+$0x220]  }
0x55: {  	v16 =	vld [tilespmem:s31+$0x230]  }
0x56: {  	v15 =	vld [tilespmem:s31+$0x240]  }
0x57: {  	v14 =	vld [tilespmem:s31+$0x250];
	v19 =	vadd.f32 v13, v19  }
0x58: {  	s0 =	simm.s32 $0x200;
	v18 =	vadd.f32 v18, v20;
	v13 =	vld [tilespmem:s31+$0x260]  }
.LBB2_3:
0x59: {  	p1 =	sne.s32 s0, $0x9E00;
	v5 =	vadd.f32 v5, v19;
	v12 =	vadd.f32 v12, v17;
	v17 =	vld [tilespmem:s31+$0x270]  }
0x5a: {  	v6 =	vadd.f32 v6, v18;
	v11 =	vadd.f32 v11, v16;
	v16 =	vld [tilespmem:s31+$0x5260]  }
0x5b: {  	s3 =	sshra.s32 s0, $0x2;
	v18 =	vmax.f32 v5, $0.0e+00;
	v4 =	vadd.f32 v4, v12;
	v10 =	vadd.f32 v10, v15;
	v12 =	vld [tilespmem:s31+$0x5270]  }
0x5c: {  	v5 =	vld [tilespmem:s3+$0x5200];
	[tilespmem:s31+$0x200] =	vst v18;
	v15 =	vmax.f32 v6, $0.0e+00;
	v3 =	vadd.f32 v3, v11;
	v9 =	vadd.f32 v9, v14  }
0x5d: {  	v6 =	vld [tilespmem:s3+$0x5210];
	[tilespmem:s31+$0x210] =	vst v15;
	v11 =	vmax.f32 v4, $0.0e+00;
	v2 =	vadd.f32 v2, v10;
	v8 =	vadd.f32 v8, v13  }
0x5e: {  	v4 =	vld [tilespmem:s3+$0x5220];
	[tilespmem:s31+$0x220] =	vst v11;
	v10 =	vmax.f32 v3, $0.0e+00;
	v1 =	vadd.f32 v1, v9;
	v7 =	vadd.f32 v7, v17  }
0x5f: {  	v3 =	vld [tilespmem:s3+$0x5230];
	[tilespmem:s31+$0x230] =	vst v10;
	v9 =	vmax.f32 v2, $0.0e+00;
	v8 =	vadd.f32 v16, v8  }
0x60: {  	v2 =	vld [tilespmem:s3+$0x5240];
	[tilespmem:s31+$0x240] =	vst v9;
	v9 =	vmax.f32 v1, $0.0e+00;
	v7 =	vadd.f32 v12, v7  }
0x61: {  	v1 =	vld [tilespmem:s3+$0x5250];
	[tilespmem:s31+$0x250] =	vst v9;
	v8 =	vmax.f32 v8, $0.0e+00  }
0x62: {  	v13 =	vld [tilespmem:s3+$0x2A00];
	[tilespmem:s31+$0x260] =	vst v8;
	v7 =	vmax.f32 v7, $0.0e+00  }
0x63: {  	v18 =	vld [tilespmem:s3+$0x2A10];
	[tilespmem:s31+$0x270] =	vst v7;
	s31 =	smov.u32 s3  }
0x64: {  	v12 =	vld [tilespmem:s31+$0x2A20]  }
0x65: {  	v11 =	vld [tilespmem:s31+$0x2A30]  }
0x66: {  	v10 =	vld [tilespmem:s31+$0x2A40]  }
0x67: {  	v9 =	vld [tilespmem:s31+$0x2A50]  }
0x68: {  	v8 =	vld [tilespmem:s31+$0x2A60]  }
0x69: {  	v7 =	vld [tilespmem:s31+$0x2A70]  }
0x6a: {  	v14 =	vld [tilespmem:s31+$0x200]  }
0x6b: {  	v20 =	vld [tilespmem:s31+$0x210]  }
.Ltmp0:
0x6c: {  	v17 =	vld [tilespmem:s31+$0x220];
	(pc) =	sbr.rel @p1 .LBB2_3-.Ltmp0, $4  }
0x6d: {  	v16 =	vld [tilespmem:s31+$0x230]  }
0x6e: {  	v15 =	vld [tilespmem:s31+$0x240]  }
0x6f: {  	v19 =	vadd.f32 v13, v14;
	v14 =	vld [tilespmem:s31+$0x250]  }
0x70: {  	s0 =	sadd.s32 $0x200, s0;
	v18 =	vadd.f32 v18, v20;
	v13 =	vld [tilespmem:s31+$0x260]  }
0x71: {  	v5 =	vadd.f32 v5, v19;
	v12 =	vadd.f32 v12, v17;
	v57 =	vld [tilespmem:s31+$0x270]  }
0x72: {  	v58 =	vld [tilespmem:s31+$0x5260];
	v6 =	vadd.f32 v6, v18;
	v11 =	vadd.f32 v11, v16  }
0x73: {  	v59 =	vld [tilespmem:s31+$0x5270];
	v5 =	vmax.f32 v5, $0.0e+00;
	v4 =	vadd.f32 v4, v12;
	v10 =	vadd.f32 v10, v15  }
0x74: {  	[tilespmem:s31+$0x200] =	vst v5;
	v60 =	vmax.f32 v6, $0.0e+00;
	v3 =	vadd.f32 v3, v11;
	v61 =	vadd.f32 v9, v14  }
0x75: {  	[tilespmem:s31+$0x210] =	vst v60;
	v4 =	vmax.f32 v4, $0.0e+00;
	v2 =	vadd.f32 v2, v10;
	v62 =	vadd.f32 v8, v13  }
0x76: {  	[tilespmem:s31+$0x220] =	vst v4;
	v3 =	vmax.f32 v3, $0.0e+00;
	v1 =	vadd.f32 v1, v61;
	v63 =	vadd.f32 v7, v57  }
0x77: {  	[tilespmem:s31+$0x230] =	vst v3;
	v2 =	vmax.f32 v2, $0.0e+00;
	v3 =	vadd.f32 v58, v62  }
0x78: {  	[tilespmem:s31+$0x240] =	vst v2;
	v1 =	vmax.f32 v1, $0.0e+00;
	v2 =	vadd.f32 v59, v63  }
0x79: {  	[tilespmem:s31+$0x250] =	vst v1;
	v1 =	vmax.f32 v3, $0.0e+00  }
0x7a: {  	s0 =	sshll.u32 s30, $0x5;
	[tilespmem:s31+$0x260] =	vst v1;
	v1 =	vmax.f32 v2, $0.0e+00  }
0x7b: {  	s0 =	sadd.s32 s0, s12;
	[tilespmem:s31+$0x270] =	vst v1  }
0x7c: {  	[hbm4b:s0+s26] =	stream.strided.scatter [tilespmem:s21], [sflag:$0x2], $0x2800, s28, s26, $0x38;
	[tilespmem:$0x1B280] =	vst v63  }
0x7d: {  	s29 =	sadd.s32 $0x1, s29;
	_ =	swait.ge [sflag:s17], $0x2800  }
0x7e: {  	p1 =	sne.s32 s29, $0x7D;
	[sflag:s17] =	ssyncset.done $0x0  }
.Ltmp1:
0x7f: {  	[sflag:s17] =	ssyncadd.s32 $0xFFFFD800;
	(pc) =	sbr.rel @p1 .LBB2_2-.Ltmp1, $4  }
0x80: {  	[spmem:s2] =	stream.indirect.scatter.add.f32 [tilespmem:s21], [sflag:$0x2], $0x80, s18, s19, $0xb8;
	[tilespmem:$0x1B280] =	vst v63  }
0x81: {  	_ =	swait.ge [sflag:s17], $0x2800  }
0x82: {  	[sflag:s17] =	ssyncset.done $0x0  }
0x83: {  	[sflag:s17] =	ssyncadd.s32 $0xFFFFD800  }
0x84: {  	s4 =	sadd.s32 $0x1, s4  }
0x85: {  	p1 =	sne.s32 s4, s14  }
.Ltmp2:
0x86: {  	[bflag:$0x0] =	sbarrier.arrive $0xFFFF;
	s0 =	simm.s32 @!p0 $0x2;
	(pc) =	sbr.rel @p1 .LBB2_1-.Ltmp2, $4  }
0x87: {  	[hbm:s13], [sflag:s15] =	dma.local @!p0 [spmem:s16], $0x3E80  }
0x88: {  	_ =	swait.ge @!p0 [sflag:s0], $0x3E80  }
0x89: {  	[sflag:s0] =	ssyncset.done @!p0 $0x0  }
0x8a: {  	[sflag:s0] =	ssyncadd.s32 @!p0 $0xFFFFC180  }
0x8b: {  	_ =	sfence.sel $0x180000  }
0x8c: {  	[bflag:$0x0] =	sbarrier.arrive $0xFFFF  }
0x8d: {  	_ =	strace $0x90000047  }
0x8e: {  	s0 =	stileid.u32;
	[bflag:$0x2] =	sbarrier.arrive $0xFFFF  }
0x8f: {  	p0 =	sne.s32 s0, $0x0;
	s0 =	rddreg [dreg:$0x4]  }
0x90: {  	s0 =	sadd.s32 @!p0 $0x100000, s0  }
0x91: {  	[sflag:s0] =	ssyncadd.tile.s32 @!p0 $0x1;
	_ =	shalt  }
.Lfunc_end2:
_tile_overlayer_lowered:
.L_overlay_start_2:
0x92: {  	(tag) =	ssettag $0x2  }
0x93: {  	s0 =	rddreg [dreg:$0x0];
	s2 =	stileid.u32  }
0x94: {  	s1 =	rddreg [dreg:$0x1];
	p0 =	sne.s32 s2, $0x0  }
0x95: {  	s3 =	rddreg [dreg:$0x2];
	[bflag:$0x3] =	sbarrier.arrive $0xFFFF;
	s2 =	simm.s32 @!p0 $0x1C02  }
0x96: {  	[timem:s3], [sflag:s2] =	dma.local @!p0 [hbm:s0], s1  }
0x97: {  	s0 =	simm.s32 @!p0 $0x2  }
0x98: {  	_ =	swait.ge @!p0 [sflag:s0], s1  }
0x99: {  	s1 =	ssub.s32 @!p0 $0x0, s1;
	[sflag:s0] =	ssyncset.done @!p0 $0x0  }
0x9a: {  	[sflag:s0] =	ssyncadd.s32 @!p0 s1  }
0x9b: {  	[bflag:$0x3] =	sbarrier.arrive $0xFFFF  }
0x9c: {  	_ =	shalt  }

</sc_bundles>
